<compile_context>
chip_gen: v7x
topology: tpu7x:2x2x1
jax: 0.10.2.dev20260603
libtpu: 0.0.44.dev20260713+nightly
codegen_flags: <defaults>
</compile_context>

<pallas_src>
import functools
import math

import jax
import jax.numpy as jnp
from jax import lax
from jax.experimental import pallas as pl
from jax.experimental.pallas import tpu as pltpu
from jax.experimental.pallas import tpu_sc as plsc

B, S, D, V, T, DFF = 8, 512, 1024, 32000, 64, 2048
N = B * S

_HI = jax.lax.Precision.HIGHEST
_NEG = -1e30


def _mm(a, b, precision=jax.lax.Precision.DEFAULT):
    return lax.dot_general(a, b, (((a.ndim - 1,), (0,)), ((), ())),
                           precision=precision,
                           preferred_element_type=jnp.float32)


def _mm1(a, b, dims=None):
    if dims is None:
        dims = (((a.ndim - 1,), (0,)), ((), ()))
    return lax.dot_general(a.astype(jnp.bfloat16), b.astype(jnp.bfloat16),
                           dims, preferred_element_type=jnp.float32)


def _emb_gather(table, idx):
    info = plsc.get_sparse_core_info()
    nw = info.num_cores * info.num_subcores
    b_per_w = N // nw
    ch = 64
    mesh = plsc.VectorSubcoreMesh(core_axis_name="c", subcore_axis_name="s")

    @functools.partial(
        pl.kernel, mesh=mesh,
        out_type=jax.ShapeDtypeStruct((N, D), jnp.float32),
        scratch_types=[
            pltpu.VMEM((b_per_w,), jnp.int32),
            pltpu.VMEM((ch, D), jnp.float32),
            pltpu.SemaphoreType.DMA,
        ],
    )
    def k(table_hbm, idx_hbm, out_hbm, idx_v, rows_v, sem):
        wid = lax.axis_index("s") * info.num_cores + lax.axis_index("c")
        base = wid * b_per_w
        pltpu.sync_copy(idx_hbm.at[pl.ds(base, b_per_w)], idx_v)
        for c in range(b_per_w // ch):
            pltpu.async_copy(table_hbm.at[idx_v.at[pl.ds(c * ch, ch)]],
                             rows_v, sem).wait()
            pltpu.sync_copy(rows_v, out_hbm.at[pl.ds(base + c * ch, ch)])

    return k(table, idx)


def _qkv(x, wq, wk, wv):
    rb = 512

    def body(x_ref, wq_ref, wk_ref, wv_ref, q_ref, k_ref, v_ref):
        xv = x_ref[...].astype(jnp.bfloat16)
        q_ref[...] = _mm1(xv, wq_ref[...]).astype(jnp.bfloat16)
        k_ref[...] = _mm1(xv, wk_ref[...]).astype(jnp.bfloat16)
        v_ref[...] = _mm1(xv, wv_ref[...])

    w_spec = pl.BlockSpec((D, D), lambda i: (0, 0))
    r_spec = pl.BlockSpec((rb, D), lambda i: (i, 0))
    return pl.pallas_call(
        body,
        grid=(N // rb,),
        in_specs=[r_spec, w_spec, w_spec, w_spec],
        out_specs=[r_spec, r_spec, r_spec],
        out_shape=[jax.ShapeDtypeStruct((N, D), jnp.bfloat16),
                   jax.ShapeDtypeStruct((N, D), jnp.bfloat16),
                   jax.ShapeDtypeStruct((N, D), jnp.float32)],
    )(x, wq, wk, wv)


def _attention(q, k, v, kvalid):
    bq, bk = 1024, 1024
    nq, nk = N // bq, N // bk
    scale = 1.0 / math.sqrt(D)

    def body(q_ref, k_ref, v_ref, kv_ref, o_ref, m_s, l_s, acc_s):
        j = pl.program_id(1)

        @pl.when(j == 0)
        def _():
            m_s[...] = jnp.full_like(m_s, -jnp.inf)
            l_s[...] = jnp.zeros_like(l_s)
            acc_s[...] = jnp.zeros_like(acc_s)

        s = lax.dot_general(q_ref[...], k_ref[...],
                            (((1,), (1,)), ((), ())),
                            preferred_element_type=jnp.float32)
        s = jnp.where(kv_ref[...] > 0.0, s * scale, -jnp.inf)
        m_old = m_s[...]
        l_old = l_s[...]
        m_new = jnp.maximum(m_old, jnp.max(s, axis=1, keepdims=True))
        corr = jnp.exp(jnp.where(m_old == m_new, 0.0, m_old - m_new))
        p = jnp.exp(s - m_new)
        l_new = corr * l_old + jnp.sum(p, axis=1, keepdims=True)
        tot = _mm1(p, v_ref[...]) + (corr * l_old) * acc_s[...]
        acc_s[...] = tot * (1.0 / l_new)
        m_s[...] = m_new
        l_s[...] = l_new

        @pl.when(j == nk - 1)
        def _():
            o_ref[...] = acc_s[...]

    return pl.pallas_call(
        body,
        grid=(nq, nk),
        in_specs=[
            pl.BlockSpec((bq, D), lambda i, j: (i, 0)),
            pl.BlockSpec((bk, D), lambda i, j: (j, 0)),
            pl.BlockSpec((bk, D), lambda i, j: (j, 0)),
            pl.BlockSpec((1, bk), lambda i, j: (0, j)),
        ],
        out_specs=pl.BlockSpec((bq, D), lambda i, j: (i, 0)),
        out_shape=jax.ShapeDtypeStruct((N, D), jnp.float32),
        scratch_shapes=[
            pltpu.VMEM((bq, 1), jnp.float32),
            pltpu.VMEM((bq, 1), jnp.float32),
            pltpu.VMEM((bq, D), jnp.float32),
        ],
        compiler_params=pltpu.CompilerParams(
            dimension_semantics=("parallel", "arbitrary")),
    )(q, k, v, kvalid)


def _layernorm(h):
    m = jnp.mean(h, axis=-1, keepdims=True)
    d = h - m
    var = jnp.mean(d * d, axis=-1, keepdims=True)
    return d / jnp.sqrt(var + 1e-5)


def _post(attn, x, wo, w1, w2, wemit, validf):
    rb = 512

    def body(a_ref, x_ref, wo_ref, w1_ref, w2_ref, we_ref, vf_ref, em_ref):
        h = _layernorm(x_ref[...] + _mm1(a_ref[...], wo_ref[...]))
        g = _mm1(h, w1_ref[...]).astype(jnp.bfloat16)
        r = jnp.maximum(g, jnp.bfloat16(0))
        f = _layernorm(h + _mm1(r, w2_ref[...]))
        f = f * vf_ref[...]
        em_ref[...] = _mm1(f, we_ref[...])

    return pl.pallas_call(
        body,
        grid=(N // rb,),
        in_specs=[
            pl.BlockSpec((rb, D), lambda i: (i, 0)),
            pl.BlockSpec((rb, D), lambda i: (i, 0)),
            pl.BlockSpec((D, D), lambda i: (0, 0)),
            pl.BlockSpec((D, DFF), lambda i: (0, 0)),
            pl.BlockSpec((DFF, D), lambda i: (0, 0)),
            pl.BlockSpec((D, T), lambda i: (0, 0)),
            pl.BlockSpec((rb, 1), lambda i: (i, 0)),
        ],
        out_specs=pl.BlockSpec((rb, T), lambda i: (i, 0)),
        out_shape=jax.ShapeDtypeStruct((N, T), jnp.float32),
    )(attn, x, wo, w1, w2, wemit, validf)


def _crf(em_t, y_t, vf_t, trans, start_r, end_r):
    def body(em_ref, y_ref, vf_ref, tr_ref, st_ref, en_ref,
             loss_ref, path_ref, bp_ref):
        trans_v = tr_ref[...]
        etrans = jnp.exp(trans_v)
        start = st_ref[...]
        end = en_ref[...]
        iota_bt = lax.broadcasted_iota(jnp.int32, (B, T), 1)

        em0 = em_ref[pl.ds(0, 1)][0]
        alpha0 = start + em0
        delta0 = alpha0

        def fwd(t, carry):
            alpha, delta = carry
            em_step = em_ref[pl.ds(t, 1)][0]
            vt = vf_ref[pl.ds(t, 1)].reshape(B, 1) > 0.0
            m = jnp.max(alpha, axis=1, keepdims=True)
            p = jnp.exp(alpha - m)
            acc = _mm(p, etrans, precision=_HI)
            na = jnp.log(acc) + m + em_step
            alpha = jnp.where(vt, na, alpha)
            s3 = delta[:, :, None] + trans_v[None, :, :]
            mx = jnp.max(s3, axis=1)
            bp = jnp.argmax(s3, axis=1).astype(jnp.int32)
            bp_ref[pl.ds(t, 1)] = jnp.where(vt, bp, iota_bt)[None]
            delta = jnp.where(vt, mx + em_step, delta)
            return alpha, delta

        lengths_i = jnp.sum(vf_ref[...], axis=0).astype(jnp.int32)
        lmax = jnp.max(lengths_i)
        alpha, delta = lax.fori_loop(1, lmax, fwd, (alpha0, delta0))

        em_all = em_ref[...]
        y = y_ref[...]
        vf = vf_ref[...]
        iota3 = lax.broadcasted_iota(jnp.int32, (S, B, T), 2)
        yoh = (iota3 == y[:, :, None]).astype(jnp.float32)
        em_y = jnp.sum(em_all * yoh, axis=2)
        g_em = jnp.sum(em_y * vf, axis=0)
        st_term = jnp.sum(start * (iota_bt == y[0][:, None]), axis=1)
        rows = _mm(yoh[:-1].reshape((S - 1) * B, T), trans_v, precision=_HI)
        sel = jnp.sum(rows * yoh[1:].reshape((S - 1) * B, T),
                      axis=1).reshape(S - 1, B)
        g_tr = jnp.sum(sel * vf[1:], axis=0)
        iota_sb = lax.broadcasted_iota(jnp.int32, (S, B), 0)
        ohlen = (iota_sb == (lengths_i - 1)[None, :]).astype(jnp.int32)
        ylast = jnp.sum(y * ohlen, axis=0)
        en_term = jnp.sum(end * (iota_bt == ylast[:, None]), axis=1)
        gold = g_em + st_term + g_tr + en_term
        ae = alpha + end
        mz = jnp.max(ae, axis=1, keepdims=True)
        logz = mz[:, 0] + jnp.log(jnp.sum(jnp.exp(ae - mz), axis=1))
        loss_ref[...] = jnp.mean(logz - gold).reshape(1, 1)

        de = delta + end
        mx0 = jnp.max(de, axis=1, keepdims=True)
        last0 = jnp.min(jnp.where(de >= mx0, iota_bt, T),
                        axis=1, keepdims=True)
        path_ref[...] = jnp.broadcast_to(last0.reshape(1, B), (S, B))

        def back(i, last):
            t = lmax - 2 - i
            bpt = bp_ref[pl.ds(t + 1, 1)][0]
            eq = (iota_bt == last).astype(jnp.int32)
            nxt = jnp.sum(bpt * eq, axis=1, keepdims=True)
            path_ref[pl.ds(t, 1)] = nxt.reshape(1, B)
            return nxt

        lax.fori_loop(0, lmax - 1, back, last0)

    loss, path_t = pl.pallas_call(
        body,
        in_specs=[pl.BlockSpec(memory_space=pltpu.VMEM)] * 6,
        out_specs=[pl.BlockSpec(memory_space=pltpu.VMEM)] * 2,
        out_shape=[jax.ShapeDtypeStruct((1, 1), jnp.float32),
                   jax.ShapeDtypeStruct((S, B), jnp.int32)],
        scratch_shapes=[pltpu.VMEM((S, B, T), jnp.int32)],
    )(em_t, y_t, vf_t, trans, start_r, end_r)
    return loss, path_t


def kernel(src, y, mask, use_gpu, embedding_matrix, Wq, Wk, Wv, Wo,
           W1, W2, W_emit, trans, start, end):
    valid = jnp.logical_not(mask)
    valid_flat = valid.reshape(-1)
    validf = valid_flat.astype(jnp.float32)
    src_flat = src.reshape(-1).astype(jnp.int32)

    x = _emb_gather(embedding_matrix, src_flat)
    q, k, v = _qkv(x, Wq, Wk, Wv)
    attn = _attention(q, k, v, validf.reshape(1, N))
    em = _post(attn, x, Wo, W1, W2, W_emit, validf.reshape(N, 1))

    em_t = em.reshape(B, S, T).transpose(1, 0, 2)
    y_t = y.astype(jnp.int32).transpose(1, 0)
    vf_t = validf.reshape(B, S).transpose(1, 0)
    loss, path_t = _crf(em_t, y_t, vf_t, trans,
                        start.reshape(1, T), end.reshape(1, T))
    return loss[0, 0], path_t.transpose(1, 0)

# --- scband reference (transcript-rebuilt; emitter-appended) ---
"""Pipeline reference for scband-model-66039417143497 (READ-ONLY COPY).

The authoritative reference and input builder live on the scoring server;
editing this copy changes nothing except your own understanding.
"""

import jax, jax.numpy as jnp
import numpy as np

B, S, D, V, T, DFF = 8, 512, 1024, 32000, 64, 2048

def _layernorm(x):
    m = jnp.mean(x, axis=-1, keepdims=True)
    v = jnp.var(x, axis=-1, keepdims=True)
    return (x - m) / jnp.sqrt(v + 1e-5)

def setup_inputs(seed: int = 0):
    key = jax.random.key(seed)
    ks = jax.random.split(key, 14)
    src = jax.random.randint(ks[0], (B, S), 0, V)
    y = jax.random.randint(ks[1], (B, S), 0, T)
    lengths = jax.random.randint(ks[2], (B,), S // 4, S + 1)
    mask = jnp.arange(S)[None, :] >= lengths[:, None]  # True = padding (matches reverse_mask = mask==False semantics)
    emb = jax.random.normal(ks[3], (V, D)) * 0.02
    Wq = jax.random.normal(ks[4], (D, D)) / np.sqrt(D)
    Wk = jax.random.normal(ks[5], (D, D)) / np.sqrt(D)
    Wv = jax.random.normal(ks[6], (D, D)) / np.sqrt(D)
    Wo = jax.random.normal(ks[7], (D, D)) / np.sqrt(D)
    W1 = jax.random.normal(ks[8], (D, DFF)) / np.sqrt(D)
    W2 = jax.random.normal(ks[9], (DFF, D)) / np.sqrt(DFF)
    W_emit = jax.random.normal(ks[10], (D, T)) / np.sqrt(D)
    trans = jax.random.normal(ks[11], (T, T)) * 0.01
    start = jax.random.normal(ks[12], (T,)) * 0.01
    end = jax.random.normal(ks[13], (T,)) * 0.01
    return {"src": src, "y": y, "mask": mask, "use_gpu": 0,
            "embedding_matrix": emb, "Wq": Wq, "Wk": Wk, "Wv": Wv, "Wo": Wo,
            "W1": W1, "W2": W2, "W_emit": W_emit, "trans": trans,
            "start": start, "end": end}

def reference(src, y, mask, use_gpu, embedding_matrix, Wq, Wk, Wv, Wo, W1, W2, W_emit, trans, start, end):
    valid = jnp.logical_not(mask)
    valid_flat = valid.reshape(-1)
    src_tok = src.reshape(-1)
    # --- Encoder over packed tokens: embedding + self-attn + FFN ---
    x = embedding_matrix[src_tok][None]  # [1, B*S, D]
    q = x @ Wq; k = x @ Wk; v = x @ Wv
    scores = (q @ jnp.swapaxes(k, -1, -2)) / np.sqrt(D)
    scores = jnp.where(valid_flat[None, None, :], scores, -jnp.inf)
    att = jax.nn.softmax(scores, axis=-1)
    x = _layernorm(x + (att @ v) @ Wo)
    enc = _layernorm(x + jax.nn.relu(x @ W1) @ W2)  # [1, B*S, D]
    # --- scatter packed features back into padded [B, S, D] (the per-sentence copy loop) ---
    feat = jnp.where(valid_flat[:, None], enc[0], jnp.zeros((), enc.dtype)).reshape(B, S, D)
    # --- CRF decoder: neg log likelihood loss + viterbi path ---
    em = feat @ W_emit  # [B, S, T]
    validf = valid.astype(em.dtype)
    alpha = start[None, :] + em[:, 0]
    for t in range(1, S):
        na = jax.nn.logsumexp(alpha[:, :, None] + trans[None] + em[:, t][:, None, :], axis=1)
        alpha = jnp.where(valid[:, t][:, None], na, alpha)
    logZ = jax.nn.logsumexp(alpha + end[None, :], axis=1)
    bi = jnp.arange(B)
    em_y = jnp.take_along_axis(em, y[..., None], axis=2)[..., 0]
    gold = (em_y * validf).sum(1) + start[y[:, 0]]
    gold = gold + (trans[y[:, :-1], y[:, 1:]] * validf[:, 1:]).sum(1)
    lengths = valid.sum(1)
    gold = gold + end[y[bi, lengths - 1]]
    loss = jnp.mean(logZ - gold)
    # viterbi
    delta = start[None, :] + em[:, 0]
    ptrs = []
    ident = jnp.broadcast_to(jnp.arange(T)[None, :], (B, T))
    for t in range(1, S):
        s = delta[:, :, None] + trans[None]
        bp = jnp.argmax(s, axis=1)
        nd = jnp.max(s, axis=1) + em[:, t]
        ptrs.append(jnp.where(valid[:, t][:, None], bp, ident))
        delta = jnp.where(valid[:, t][:, None], nd, delta)
    last = jnp.argmax(delta + end[None, :], axis=1)
    tags = [last]
    for t in range(S - 2, -1, -1):
        last = ptrs[t][bi, last]
        tags.append(last)
    path = jnp.stack(tags[::-1], axis=1)
    return loss, path

if __name__ == "__main__":
    import jax
    _d = setup_inputs()
    print(jax.jit(kernel)(*tuple(_d.values())))

</pallas_src>

<mosaic_0001>
#map = affine_map<(d0, d1) -> (0, 0)>
#map1 = affine_map<(d0, d1) -> (0)>
module attributes {stable_mosaic.version = 14 : i64} {
  func.func @k(%arg0: i32, %arg1: i32, %arg2: memref<32000x1024xf32, #tpu.memory_space<hbm>>, %arg3: memref<4096xi32, #tpu.memory_space<hbm>>, %arg4: memref<4096x1024xf32, #tpu.memory_space<hbm>>, %arg5: memref<128xi32, #tpu.memory_space<vmem>>, %arg6: memref<64x1024xf32, #tpu.memory_space<vmem>>, %arg7: memref<!tpu.dma_semaphore, #tpu.memory_space<semaphore_mem>>) attributes {dimension_semantics = [#tpu.dimension_semantics<core_parallel>, #tpu.dimension_semantics<subcore_parallel>], iteration_bounds = array<i64: 2, 16>, scalar_prefetch = 0 : i64, scratch_operands = 3 : i64, tpu.core_type = #tpu.core_type<sc_vector_subcore>, window_params = [{transform_indices = #map}, {transform_indices = #map1}, {transform_indices = #map}]} {
    %mul3A = arith.constant 2 : i32
    %mul3A_0 = arith.muli %arg1, %mul3A : i32
    %add3A = arith.addi %mul3A_0, %arg0 : i32
    %mul3A_1 = arith.constant 128 : i32
    %mul3A_2 = arith.muli %add3A, %mul3A_1 : i32
    "tpu.region"() ({
      %run_scoped3A = tpu.sem_alloc : memref<!tpu.dma_semaphore, #tpu.memory_space<semaphore_mem>>
      %dma_start3A_25 = tpu.memref_slice %arg3[%mul3A_2] : memref<4096xi32, #tpu.memory_space<hbm>> -> memref<128xi32, #tpu.memory_space<hbm>>
      %dma_start3A_26 = tpu.memref_slice %arg3[%mul3A_2] : memref<4096xi32, #tpu.memory_space<hbm>> -> memref<128xi32, #tpu.memory_space<hbm>>
      tpu.enqueue_dma source(%dma_start3A_26 : memref<128xi32, #tpu.memory_space<hbm>>) target(%arg5 : memref<128xi32, #tpu.memory_space<vmem>>) target_semaphore(%run_scoped3A : memref<!tpu.dma_semaphore, #tpu.memory_space<semaphore_mem>>)
      %dma_wait3A_27 = tpu.memref_slice %arg3[%mul3A_2] : memref<4096xi32, #tpu.memory_space<hbm>> -> memref<128xi32, #tpu.memory_space<hbm>>
      %dma_wait3A_28 = tpu.memref_slice %arg3[%mul3A_2] : memref<4096xi32, #tpu.memory_space<hbm>> -> memref<128xi32, #tpu.memory_space<hbm>>
      tpu.wait_dma2 semaphore(%run_scoped3A : memref<!tpu.dma_semaphore, #tpu.memory_space<semaphore_mem>>) src(%dma_wait3A_28 : memref<128xi32, #tpu.memory_space<hbm>>) dst(%arg5 : memref<128xi32, #tpu.memory_space<vmem>>)
      tpu.yield
    }) : () -> ()
    %dma_start3A = arith.constant 0 : i32
    %dma_start3A_3 = tpu.memref_slice %arg5[%dma_start3A] : memref<128xi32, #tpu.memory_space<vmem>> -> memref<64xi32, #tpu.memory_space<vmem>>
    %dma_start3A_4 = arith.constant 0 : i32
    %dma_start3A_5 = arith.constant 0 : i32
    %dma_start3A_6 = tpu.memref_slice %arg2[%dma_start3A_4, %dma_start3A_5] : memref<32000x1024xf32, #tpu.memory_space<hbm>> -> memref<32000x1024xf32, #tpu.memory_space<hbm>>
    tpu.enqueue_indirect_dma source(%dma_start3A_6 : memref<32000x1024xf32, #tpu.memory_space<hbm>>) target(%arg6 : memref<64x1024xf32, #tpu.memory_space<vmem>>) offsets(%dma_start3A_3 : memref<64xi32, #tpu.memory_space<vmem>>) semaphore(%arg7 : memref<!tpu.dma_semaphore, #tpu.memory_space<semaphore_mem>>)
    %dma_wait3A = arith.constant 0 : i32
    %dma_wait3A_7 = tpu.memref_slice %arg5[%dma_wait3A] : memref<128xi32, #tpu.memory_space<vmem>> -> memref<64xi32, #tpu.memory_space<vmem>>
    %dma_wait3A_8 = arith.constant 0 : i32
    %dma_wait3A_9 = arith.constant 0 : i32
    %dma_wait3A_10 = tpu.memref_slice %arg2[%dma_wait3A_8, %dma_wait3A_9] : memref<32000x1024xf32, #tpu.memory_space<hbm>> -> memref<32000x1024xf32, #tpu.memory_space<hbm>>
    tpu.wait_indirect_dma semaphore(%arg7 : memref<!tpu.dma_semaphore, #tpu.memory_space<semaphore_mem>>) src(%dma_wait3A_10 : memref<32000x1024xf32, #tpu.memory_space<hbm>>) dst(%arg6 : memref<64x1024xf32, #tpu.memory_space<vmem>>)
    %add3A_11 = arith.constant 0 : i32
    %add3A_12 = arith.addi %mul3A_2, %add3A_11 : i32
    "tpu.region"() ({
      %run_scoped3A = tpu.sem_alloc : memref<!tpu.dma_semaphore, #tpu.memory_space<semaphore_mem>>
      %dma_start3A_25 = arith.constant 0 : i32
      %dma_start3A_26 = tpu.memref_slice %arg4[%add3A_12, %dma_start3A_25] : memref<4096x1024xf32, #tpu.memory_space<hbm>> -> memref<64x1024xf32, #tpu.memory_space<hbm>>
      %dma_start3A_27 = arith.constant 0 : i32
      %dma_start3A_28 = tpu.memref_slice %arg4[%add3A_12, %dma_start3A_27] : memref<4096x1024xf32, #tpu.memory_space<hbm>> -> memref<64x1024xf32, #tpu.memory_space<hbm>>
      tpu.enqueue_dma source(%arg6 : memref<64x1024xf32, #tpu.memory_space<vmem>>) target(%dma_start3A_28 : memref<64x1024xf32, #tpu.memory_space<hbm>>) target_semaphore(%run_scoped3A : memref<!tpu.dma_semaphore, #tpu.memory_space<semaphore_mem>>)
      %dma_wait3A_29 = arith.constant 0 : i32
      %dma_wait3A_30 = tpu.memref_slice %arg4[%add3A_12, %dma_wait3A_29] : memref<4096x1024xf32, #tpu.memory_space<hbm>> -> memref<64x1024xf32, #tpu.memory_space<hbm>>
      %dma_wait3A_31 = arith.constant 0 : i32
      %dma_wait3A_32 = tpu.memref_slice %arg4[%add3A_12, %dma_wait3A_31] : memref<4096x1024xf32, #tpu.memory_space<hbm>> -> memref<64x1024xf32, #tpu.memory_space<hbm>>
      tpu.wait_dma2 semaphore(%run_scoped3A : memref<!tpu.dma_semaphore, #tpu.memory_space<semaphore_mem>>) src(%arg6 : memref<64x1024xf32, #tpu.memory_space<vmem>>) dst(%dma_wait3A_32 : memref<64x1024xf32, #tpu.memory_space<hbm>>)
      tpu.yield
    }) : () -> ()
    %dma_start3A_13 = arith.constant 64 : i32
    %dma_start3A_14 = tpu.memref_slice %arg5[%dma_start3A_13] : memref<128xi32, #tpu.memory_space<vmem>> -> memref<64xi32, #tpu.memory_space<vmem>>
    %dma_start3A_15 = arith.constant 0 : i32
    %dma_start3A_16 = arith.constant 0 : i32
    %dma_start3A_17 = tpu.memref_slice %arg2[%dma_start3A_15, %dma_start3A_16] : memref<32000x1024xf32, #tpu.memory_space<hbm>> -> memref<32000x1024xf32, #tpu.memory_space<hbm>>
    tpu.enqueue_indirect_dma source(%dma_start3A_17 : memref<32000x1024xf32, #tpu.memory_space<hbm>>) target(%arg6 : memref<64x1024xf32, #tpu.memory_space<vmem>>) offsets(%dma_start3A_14 : memref<64xi32, #tpu.memory_space<vmem>>) semaphore(%arg7 : memref<!tpu.dma_semaphore, #tpu.memory_space<semaphore_mem>>)
    %dma_wait3A_18 = arith.constant 64 : i32
    %dma_wait3A_19 = tpu.memref_slice %arg5[%dma_wait3A_18] : memref<128xi32, #tpu.memory_space<vmem>> -> memref<64xi32, #tpu.memory_space<vmem>>
    %dma_wait3A_20 = arith.constant 0 : i32
    %dma_wait3A_21 = arith.constant 0 : i32
    %dma_wait3A_22 = tpu.memref_slice %arg2[%dma_wait3A_20, %dma_wait3A_21] : memref<32000x1024xf32, #tpu.memory_space<hbm>> -> memref<32000x1024xf32, #tpu.memory_space<hbm>>
    tpu.wait_indirect_dma semaphore(%arg7 : memref<!tpu.dma_semaphore, #tpu.memory_space<semaphore_mem>>) src(%dma_wait3A_22 : memref<32000x1024xf32, #tpu.memory_space<hbm>>) dst(%arg6 : memref<64x1024xf32, #tpu.memory_space<vmem>>)
    %add3A_23 = arith.constant 64 : i32
    %add3A_24 = arith.addi %mul3A_2, %add3A_23 : i32
    "tpu.region"() ({
      %run_scoped3A = tpu.sem_alloc : memref<!tpu.dma_semaphore, #tpu.memory_space<semaphore_mem>>
      %dma_start3A_25 = arith.constant 0 : i32
      %dma_start3A_26 = tpu.memref_slice %arg4[%add3A_24, %dma_start3A_25] : memref<4096x1024xf32, #tpu.memory_space<hbm>> -> memref<64x1024xf32, #tpu.memory_space<hbm>>
      %dma_start3A_27 = arith.constant 0 : i32
      %dma_start3A_28 = tpu.memref_slice %arg4[%add3A_24, %dma_start3A_27] : memref<4096x1024xf32, #tpu.memory_space<hbm>> -> memref<64x1024xf32, #tpu.memory_space<hbm>>
      tpu.enqueue_dma source(%arg6 : memref<64x1024xf32, #tpu.memory_space<vmem>>) target(%dma_start3A_28 : memref<64x1024xf32, #tpu.memory_space<hbm>>) target_semaphore(%run_scoped3A : memref<!tpu.dma_semaphore, #tpu.memory_space<semaphore_mem>>)
      %dma_wait3A_29 = arith.constant 0 : i32
      %dma_wait3A_30 = tpu.memref_slice %arg4[%add3A_24, %dma_wait3A_29] : memref<4096x1024xf32, #tpu.memory_space<hbm>> -> memref<64x1024xf32, #tpu.memory_space<hbm>>
      %dma_wait3A_31 = arith.constant 0 : i32
      %dma_wait3A_32 = tpu.memref_slice %arg4[%add3A_24, %dma_wait3A_31] : memref<4096x1024xf32, #tpu.memory_space<hbm>> -> memref<64x1024xf32, #tpu.memory_space<hbm>>
      tpu.wait_dma2 semaphore(%run_scoped3A : memref<!tpu.dma_semaphore, #tpu.memory_space<semaphore_mem>>) src(%arg6 : memref<64x1024xf32, #tpu.memory_space<vmem>>) dst(%dma_wait3A_32 : memref<64x1024xf32, #tpu.memory_space<hbm>>)
      tpu.yield
    }) : () -> ()
    return
  }
}

module attributes {stable_mosaic.version = 14 : i64} {
  func.func @body(%arg0: i32, %arg1: memref<512x1024xf32, #tpu.memory_space<vmem>>, %arg2: memref<1024x1024xf32, #tpu.memory_space<vmem>>, %arg3: memref<1024x1024xf32, #tpu.memory_space<vmem>>, %arg4: memref<1024x1024xf32, #tpu.memory_space<vmem>>, %arg5: memref<512x1024xbf16, #tpu.memory_space<vmem>>, %arg6: memref<512x1024xbf16, #tpu.memory_space<vmem>>, %arg7: memref<512x1024xf32, #tpu.memory_space<vmem>>) attributes {dimension_semantics = [#tpu.dimension_semantics<arbitrary>], iteration_bounds = array<i64: 8>, scalar_prefetch = 0 : i64, scratch_operands = 0 : i64, tpu.core_type = #tpu.core_type<tc>, window_params = [{transform_indices = @transform_0, window_bounds = array<i64: 512, 1024>}, {pipeline_mode = #tpu.pipeline_mode<synchronous>, transform_indices = @transform_1, window_bounds = array<i64: 1024, 1024>}, {pipeline_mode = #tpu.pipeline_mode<synchronous>, transform_indices = @transform_2, window_bounds = array<i64: 1024, 1024>}, {pipeline_mode = #tpu.pipeline_mode<synchronous>, transform_indices = @transform_3, window_bounds = array<i64: 1024, 1024>}, {transform_indices = @transform_4, window_bounds = array<i64: 512, 1024>}, {transform_indices = @transform_5, window_bounds = array<i64: 512, 1024>}, {transform_indices = @transform_6, window_bounds = array<i64: 512, 1024>}]} {
    %get3A = arith.constant 0 : index
    %get3A_0 = arith.constant 0 : index
    %get3A_1 = vector.load %arg1[%get3A, %get3A_0] : memref<512x1024xf32, #tpu.memory_space<vmem>>, vector<512x1024xf32>
    %convert_element_type3A = arith.truncf %get3A_1 : vector<512x1024xf32> to vector<512x1024xbf16>
    %get3A_2 = arith.constant 0 : index
    %get3A_3 = arith.constant 0 : index
    %get3A_4 = vector.load %arg2[%get3A_2, %get3A_3] : memref<1024x1024xf32, #tpu.memory_space<vmem>>, vector<1024x1024xf32>
    %convert_element_type3A_5 = arith.truncf %get3A_4 : vector<1024x1024xf32> to vector<1024x1024xbf16>
    %dot_general3A = arith.constant dense<0.000000e+00> : vector<512x1024xf32>
    %dot_general3A_6 = tpu.matmul %convert_element_type3A, %convert_element_type3A_5, %dot_general3A {dimension_numbers = #tpu.dot_dimension_numbers<[1], [0], [0], [1], [0, 0, 1, 1], [], []>, transpose_lhs_hint = false} : vector<512x1024xbf16>, vector<1024x1024xbf16>, vector<512x1024xf32> -> vector<512x1024xf32>
    %convert_element_type3A_7 = arith.truncf %dot_general3A_6 : vector<512x1024xf32> to vector<512x1024xbf16>
    %swap3A = arith.constant 0 : index
    %swap3A_8 = arith.constant 0 : index
    %swap3A_9 = vector.load %arg5[%swap3A, %swap3A_8] : memref<512x1024xbf16, #tpu.memory_space<vmem>>, vector<512x1024xbf16>
    tpu.vector_store %arg5[%swap3A, %swap3A_8], %convert_element_type3A_7 {strides = array<i32>} : memref<512x1024xbf16, #tpu.memory_space<vmem>>, vector<512x1024xbf16>,
    %get3A_10 = arith.constant 0 : index
    %get3A_11 = arith.constant 0 : index
    %get3A_12 = vector.load %arg3[%get3A_10, %get3A_11] : memref<1024x1024xf32, #tpu.memory_space<vmem>>, vector<1024x1024xf32>
    %convert_element_type3A_13 = arith.truncf %get3A_12 : vector<1024x1024xf32> to vector<1024x1024xbf16>
    %dot_general3A_14 = arith.constant dense<0.000000e+00> : vector<512x1024xf32>
    %dot_general3A_15 = tpu.matmul %convert_element_type3A, %convert_element_type3A_13, %dot_general3A_14 {dimension_numbers = #tpu.dot_dimension_numbers<[1], [0], [0], [1], [0, 0, 1, 1], [], []>, transpose_lhs_hint = false} : vector<512x1024xbf16>, vector<1024x1024xbf16>, vector<512x1024xf32> -> vector<512x1024xf32>
    %convert_element_type3A_16 = arith.truncf %dot_general3A_15 : vector<512x1024xf32> to vector<512x1024xbf16>
    %swap3A_17 = arith.constant 0 : index
    %swap3A_18 = arith.constant 0 : index
    %swap3A_19 = vector.load %arg6[%swap3A_17, %swap3A_18] : memref<512x1024xbf16, #tpu.memory_space<vmem>>, vector<512x1024xbf16>
    tpu.vector_store %arg6[%swap3A_17, %swap3A_18], %convert_element_type3A_16 {strides = array<i32>} : memref<512x1024xbf16, #tpu.memory_space<vmem>>, vector<512x1024xbf16>,
    %get3A_20 = arith.constant 0 : index
    %get3A_21 = arith.constant 0 : index
    %get3A_22 = vector.load %arg4[%get3A_20, %get3A_21] : memref<1024x1024xf32, #tpu.memory_space<vmem>>, vector<1024x1024xf32>
    %convert_element_type3A_23 = arith.truncf %get3A_22 : vector<1024x1024xf32> to vector<1024x1024xbf16>
    %dot_general3A_24 = arith.constant dense<0.000000e+00> : vector<512x1024xf32>
    %dot_general3A_25 = tpu.matmul %convert_element_type3A, %convert_element_type3A_23, %dot_general3A_24 {dimension_numbers = #tpu.dot_dimension_numbers<[1], [0], [0], [1], [0, 0, 1, 1], [], []>, transpose_lhs_hint = false} : vector<512x1024xbf16>, vector<1024x1024xbf16>, vector<512x1024xf32> -> vector<512x1024xf32>
    %swap3A_26 = arith.constant 0 : index
    %swap3A_27 = arith.constant 0 : index
    %swap3A_28 = vector.load %arg7[%swap3A_26, %swap3A_27] : memref<512x1024xf32, #tpu.memory_space<vmem>>, vector<512x1024xf32>
    tpu.vector_store %arg7[%swap3A_26, %swap3A_27], %dot_general3A_25 {strides = array<i32>} : memref<512x1024xf32, #tpu.memory_space<vmem>>, vector<512x1024xf32>,
    return
  }
  func.func @transform_0(%arg0: i32) -> (i32, i32) {
    %c0_i32 = arith.constant 0 : i32
    %c0_i32_0 = arith.constant 0 : i32
    return %arg0, %c0_i32 : i32, i32
  }
  func.func @transform_1(%arg0: i32) -> (i32, i32) {
    %c0_i32 = arith.constant 0 : i32
    %c0_i32_0 = arith.constant 0 : i32
    %c0_i32_1 = arith.constant 0 : i32
    return %c0_i32, %c0_i32_0 : i32, i32
  }
  func.func @transform_2(%arg0: i32) -> (i32, i32) {
    %c0_i32 = arith.constant 0 : i32
    %c0_i32_0 = arith.constant 0 : i32
    %c0_i32_1 = arith.constant 0 : i32
    return %c0_i32, %c0_i32_0 : i32, i32
  }
  func.func @transform_3(%arg0: i32) -> (i32, i32) {
    %c0_i32 = arith.constant 0 : i32
    %c0_i32_0 = arith.constant 0 : i32
    %c0_i32_1 = arith.constant 0 : i32
    return %c0_i32, %c0_i32_0 : i32, i32
  }
  func.func @transform_4(%arg0: i32) -> (i32, i32) {
    %c0_i32 = arith.constant 0 : i32
    %c0_i32_0 = arith.constant 0 : i32
    return %arg0, %c0_i32 : i32, i32
  }
  func.func @transform_5(%arg0: i32) -> (i32, i32) {
    %c0_i32 = arith.constant 0 : i32
    %c0_i32_0 = arith.constant 0 : i32
    return %arg0, %c0_i32 : i32, i32
  }
  func.func @transform_6(%arg0: i32) -> (i32, i32) {
    %c0_i32 = arith.constant 0 : i32
    %c0_i32_0 = arith.constant 0 : i32
    return %arg0, %c0_i32 : i32, i32
  }
}

module attributes {stable_mosaic.version = 14 : i64} {
  func.func @body(%arg0: i32, %arg1: i32, %arg2: memref<1024x1024xbf16, #tpu.memory_space<vmem>>, %arg3: memref<1024x1024xbf16, #tpu.memory_space<vmem>>, %arg4: memref<1024x1024xf32, #tpu.memory_space<vmem>>, %arg5: memref<1x1024xf32, #tpu.memory_space<vmem>>, %arg6: memref<1024x1024xf32, #tpu.memory_space<vmem>>, %arg7: memref<1024x1xf32, #tpu.memory_space<vmem>>, %arg8: memref<1024x1xf32, #tpu.memory_space<vmem>>, %arg9: memref<1024x1024xf32, #tpu.memory_space<vmem>>) attributes {dimension_semantics = [#tpu.dimension_semantics<parallel>, #tpu.dimension_semantics<arbitrary>], iteration_bounds = array<i64: 4, 4>, scalar_prefetch = 0 : i64, scratch_operands = 3 : i64, tpu.core_type = #tpu.core_type<tc>, window_params = [{transform_indices = @transform_0, window_bounds = array<i64: 1024, 1024>}, {transform_indices = @transform_1, window_bounds = array<i64: 1024, 1024>}, {transform_indices = @transform_2, window_bounds = array<i64: 1024, 1024>}, {transform_indices = @transform_3, window_bounds = array<i64: 1, 1024>}, {transform_indices = @transform_4, window_bounds = array<i64: 1024, 1024>}]} {
    %eq3A = arith.constant 0 : i32
    %eq3A_0 = arith.cmpi eq, %arg1, %eq3A : i32
    %convert_element_type3A = arith.extui %eq3A_0 : i1 to i32
    %cond3A = arith.constant 0 : i32
    %cond3A_1 = arith.cmpi ne, %convert_element_type3A, %cond3A : i32
    scf.if %cond3A_1 {
      %broadcast_in_dim3A_66 = arith.constant 0xFF800000 : f32
      %broadcast_in_dim3A_67 = vector.broadcast %broadcast_in_dim3A_66 : f32 to vector<1024x1xf32>
      %swap3A_68 = arith.constant 0 : index
      %swap3A_69 = arith.constant 0 : index
      %swap3A_70 = vector.load %arg7[%swap3A_68, %swap3A_69] : memref<1024x1xf32, #tpu.memory_space<vmem>>, vector<1024x1xf32>
      tpu.vector_store %arg7[%swap3A_68, %swap3A_69], %broadcast_in_dim3A_67 {strides = array<i32>} : memref<1024x1xf32, #tpu.memory_space<vmem>>, vector<1024x1xf32>,
      %broadcast_in_dim3A_71 = arith.constant 0.000000e+00 : f32
      %broadcast_in_dim3A_72 = vector.broadcast %broadcast_in_dim3A_71 : f32 to vector<1024x1xf32>
      %swap3A_73 = arith.constant 0 : index
      %swap3A_74 = arith.constant 0 : index
      %swap3A_75 = vector.load %arg8[%swap3A_73, %swap3A_74] : memref<1024x1xf32, #tpu.memory_space<vmem>>, vector<1024x1xf32>
      tpu.vector_store %arg8[%swap3A_73, %swap3A_74], %broadcast_in_dim3A_72 {strides = array<i32>} : memref<1024x1xf32, #tpu.memory_space<vmem>>, vector<1024x1xf32>,
      %broadcast_in_dim3A_76 = arith.constant 0.000000e+00 : f32
      %broadcast_in_dim3A_77 = vector.broadcast %broadcast_in_dim3A_76 : f32 to vector<1024x1024xf32>
      %swap3A_78 = arith.constant 0 : index
      %swap3A_79 = arith.constant 0 : index
      %swap3A_80 = vector.load %arg9[%swap3A_78, %swap3A_79] : memref<1024x1024xf32, #tpu.memory_space<vmem>>, vector<1024x1024xf32>
      tpu.vector_store %arg9[%swap3A_78, %swap3A_79], %broadcast_in_dim3A_77 {strides = array<i32>} : memref<1024x1024xf32, #tpu.memory_space<vmem>>, vector<1024x1024xf32>,
    } else {
    }
    %get3A = arith.constant 0 : index
    %get3A_2 = arith.constant 0 : index
    %get3A_3 = vector.load %arg2[%get3A, %get3A_2] : memref<1024x1024xbf16, #tpu.memory_space<vmem>>, vector<1024x1024xbf16>
    %get3A_4 = arith.constant 0 : index
    %get3A_5 = arith.constant 0 : index
    %get3A_6 = vector.load %arg3[%get3A_4, %get3A_5] : memref<1024x1024xbf16, #tpu.memory_space<vmem>>, vector<1024x1024xbf16>
    %dot_general3A = arith.constant dense<0.000000e+00> : vector<1024x1024xf32>
    %dot_general3A_7 = tpu.matmul %get3A_3, %get3A_6, %dot_general3A {dimension_numbers = #tpu.dot_dimension_numbers<[1], [1], [0], [0], [0, 0, 1, 0], [], []>, transpose_lhs_hint = false} : vector<1024x1024xbf16>, vector<1024x1024xbf16>, vector<1024x1024xf32> -> vector<1024x1024xf32>
    %get3A_8 = arith.constant 0 : index
    %get3A_9 = arith.constant 0 : index
    %get3A_10 = vector.load %arg5[%get3A_8, %get3A_9] : memref<1x1024xf32, #tpu.memory_space<vmem>>, vector<1x1024xf32>
    %gt3A = arith.constant 0.000000e+00 : f32
    %gt3A_11 = vector.broadcast %gt3A : f32 to vector<1x1024xf32>
    %gt3A_12 = arith.cmpf ogt, %get3A_10, %gt3A_11 : vector<1x1024xf32>
    %mul3A = arith.constant 3.125000e-02 : f32
    %mul3A_13 = vector.broadcast %mul3A : f32 to vector<1024x1024xf32>
    %mul3A_14 = arith.mulf %dot_general3A_7, %mul3A_13 : vector<1024x1024xf32>
    %jit3A = arith.constant 0xFF800000 : f32
    %broadcast_in_dim3A = vector.shape_cast %gt3A_12 : vector<1x1024xi1> to vector<1x1024xi1>
    %broadcast_in_dim3A_15 = vector.broadcast %broadcast_in_dim3A : vector<1x1024xi1> to vector<1024x1024xi1>
    %broadcast_in_dim3A_16 = vector.broadcast %jit3A : f32 to vector<1024x1024xf32>
    %select_n3A = arith.select %broadcast_in_dim3A_15, %mul3A_14, %broadcast_in_dim3A_16 : vector<1024x1024xi1>, vector<1024x1024xf32>
    %get3A_17 = arith.constant 0 : index
    %get3A_18 = arith.constant 0 : index
    %get3A_19 = vector.load %arg7[%get3A_17, %get3A_18] : memref<1024x1xf32, #tpu.memory_space<vmem>>, vector<1024x1xf32>
    %get3A_20 = arith.constant 0 : index
    %get3A_21 = arith.constant 0 : index
    %get3A_22 = vector.load %arg8[%get3A_20, %get3A_21] : memref<1024x1xf32, #tpu.memory_space<vmem>>, vector<1024x1xf32>
    %reduce_max3A = arith.constant dense<0xFF800000> : vector<1024xf32>
    %reduce_max3A_23 = vector.multi_reduction <maximumf>, %select_n3A, %reduce_max3A [1] : vector<1024x1024xf32> to vector<1024xf32>
    %broadcast_in_dim3A_24 = vector.shape_cast %reduce_max3A_23 : vector<1024xf32> to vector<1024x1xf32>
    %max3A = arith.maximumf %get3A_19, %broadcast_in_dim3A_24 : vector<1024x1xf32>
    %eq3A_25 = arith.cmpf oeq, %get3A_19, %max3A : vector<1024x1xf32>
    %sub3A = arith.subf %get3A_19, %max3A : vector<1024x1xf32>
    %jit3A_26 = arith.constant 0.000000e+00 : f32
    %broadcast_in_dim3A_27 = vector.broadcast %jit3A_26 : f32 to vector<1024x1xf32>
    %select_n3A_28 = arith.select %eq3A_25, %broadcast_in_dim3A_27, %sub3A : vector<1024x1xi1>, vector<1024x1xf32>
    %exp3A = math.exp %select_n3A_28 : vector<1024x1xf32>
    %sub3A_29 = vector.broadcast %max3A : vector<1024x1xf32> to vector<1024x1024xf32>
    %sub3A_30 = arith.subf %select_n3A, %sub3A_29 : vector<1024x1024xf32>
    %exp3A_31 = math.exp %sub3A_30 : vector<1024x1024xf32>
    %mul3A_32 = arith.mulf %exp3A, %get3A_22 : vector<1024x1xf32>
    %reduce_sum3A = arith.constant dense<0.000000e+00> : vector<1024xf32>
    %reduce_sum3A_33 = vector.multi_reduction <add>, %exp3A_31, %reduce_sum3A [1] : vector<1024x1024xf32> to vector<1024xf32>
    %broadcast_in_dim3A_34 = vector.shape_cast %reduce_sum3A_33 : vector<1024xf32> to vector<1024x1xf32>
    %add3A = arith.addf %mul3A_32, %broadcast_in_dim3A_34 : vector<1024x1xf32>
    %get3A_35 = arith.constant 0 : index
    %get3A_36 = arith.constant 0 : index
    %get3A_37 = vector.load %arg4[%get3A_35, %get3A_36] : memref<1024x1024xf32, #tpu.memory_space<vmem>>, vector<1024x1024xf32>
    %convert_element_type3A_38 = arith.truncf %exp3A_31 : vector<1024x1024xf32> to vector<1024x1024xbf16>
    %convert_element_type3A_39 = arith.truncf %get3A_37 : vector<1024x1024xf32> to vector<1024x1024xbf16>
    %dot_general3A_40 = arith.constant dense<0.000000e+00> : vector<1024x1024xf32>
    %dot_general3A_41 = tpu.matmul %convert_element_type3A_38, %convert_element_type3A_39, %dot_general3A_40 {dimension_numbers = #tpu.dot_dimension_numbers<[1], [0], [0], [1], [0, 0, 1, 1], [], []>, transpose_lhs_hint = false} : vector<1024x1024xbf16>, vector<1024x1024xbf16>, vector<1024x1024xf32> -> vector<1024x1024xf32>
    %mul3A_42 = arith.mulf %exp3A, %get3A_22 : vector<1024x1xf32>
    %get3A_43 = arith.constant 0 : index
    %get3A_44 = arith.constant 0 : index
    %get3A_45 = vector.load %arg9[%get3A_43, %get3A_44] : memref<1024x1024xf32, #tpu.memory_space<vmem>>, vector<1024x1024xf32>
    %mul3A_46 = vector.broadcast %mul3A_42 : vector<1024x1xf32> to vector<1024x1024xf32>
    %mul3A_47 = arith.mulf %mul3A_46, %get3A_45 : vector<1024x1024xf32>
    %add3A_48 = arith.addf %dot_general3A_41, %mul3A_47 : vector<1024x1024xf32>
    %div3A = arith.constant 1.000000e+00 : f32
    %div3A_49 = vector.broadcast %div3A : f32 to vector<1024x1xf32>
    %div3A_50 = arith.divf %div3A_49, %add3A : vector<1024x1xf32>
    %mul3A_51 = vector.broadcast %div3A_50 : vector<1024x1xf32> to vector<1024x1024xf32>
    %mul3A_52 = arith.mulf %add3A_48, %mul3A_51 : vector<1024x1024xf32>
    %swap3A = arith.constant 0 : index
    %swap3A_53 = arith.constant 0 : index
    %swap3A_54 = vector.load %arg9[%swap3A, %swap3A_53] : memref<1024x1024xf32, #tpu.memory_space<vmem>>, vector<1024x1024xf32>
    tpu.vector_store %arg9[%swap3A, %swap3A_53], %mul3A_52 {strides = array<i32>} : memref<1024x1024xf32, #tpu.memory_space<vmem>>, vector<1024x1024xf32>,
    %swap3A_55 = arith.constant 0 : index
    %swap3A_56 = arith.constant 0 : index
    %swap3A_57 = vector.load %arg7[%swap3A_55, %swap3A_56] : memref<1024x1xf32, #tpu.memory_space<vmem>>, vector<1024x1xf32>
    tpu.vector_store %arg7[%swap3A_55, %swap3A_56], %max3A {strides = array<i32>} : memref<1024x1xf32, #tpu.memory_space<vmem>>, vector<1024x1xf32>,
    %swap3A_58 = arith.constant 0 : index
    %swap3A_59 = arith.constant 0 : index
    %swap3A_60 = vector.load %arg8[%swap3A_58, %swap3A_59] : memref<1024x1xf32, #tpu.memory_space<vmem>>, vector<1024x1xf32>
    tpu.vector_store %arg8[%swap3A_58, %swap3A_59], %add3A {strides = array<i32>} : memref<1024x1xf32, #tpu.memory_space<vmem>>, vector<1024x1xf32>,
    %eq3A_61 = arith.constant 3 : i32
    %eq3A_62 = arith.cmpi eq, %arg1, %eq3A_61 : i32
    %convert_element_type3A_63 = arith.extui %eq3A_62 : i1 to i32
    %cond3A_64 = arith.constant 0 : i32
    %cond3A_65 = arith.cmpi ne, %convert_element_type3A_63, %cond3A_64 : i32
    scf.if %cond3A_65 {
      %get3A_66 = arith.constant 0 : index
      %get3A_67 = arith.constant 0 : index
      %get3A_68 = vector.load %arg9[%get3A_66, %get3A_67] : memref<1024x1024xf32, #tpu.memory_space<vmem>>, vector<1024x1024xf32>
      %swap3A_69 = arith.constant 0 : index
      %swap3A_70 = arith.constant 0 : index
      %swap3A_71 = vector.load %arg6[%swap3A_69, %swap3A_70] : memref<1024x1024xf32, #tpu.memory_space<vmem>>, vector<1024x1024xf32>
      tpu.vector_store %arg6[%swap3A_69, %swap3A_70], %get3A_68 {strides = array<i32>} : memref<1024x1024xf32, #tpu.memory_space<vmem>>, vector<1024x1024xf32>,
    } else {
    }
    return
  }
  func.func @transform_0(%arg0: i32, %arg1: i32) -> (i32, i32) {
    %c0_i32 = arith.constant 0 : i32
    %c0_i32_0 = arith.constant 0 : i32
    return %arg0, %c0_i32 : i32, i32
  }
  func.func @transform_1(%arg0: i32, %arg1: i32) -> (i32, i32) {
    %c0_i32 = arith.constant 0 : i32
    %c0_i32_0 = arith.constant 0 : i32
    return %arg1, %c0_i32 : i32, i32
  }
  func.func @transform_2(%arg0: i32, %arg1: i32) -> (i32, i32) {
    %c0_i32 = arith.constant 0 : i32
    %c0_i32_0 = arith.constant 0 : i32
    return %arg1, %c0_i32 : i32, i32
  }
  func.func @transform_3(%arg0: i32, %arg1: i32) -> (i32, i32) {
    %c0_i32 = arith.constant 0 : i32
    %c0_i32_0 = arith.constant 0 : i32
    return %c0_i32, %arg1 : i32, i32
  }
  func.func @transform_4(%arg0: i32, %arg1: i32) -> (i32, i32) {
    %c0_i32 = arith.constant 0 : i32
    %c0_i32_0 = arith.constant 0 : i32
    return %arg0, %c0_i32 : i32, i32
  }
}

module attributes {stable_mosaic.version = 14 : i64} {
  func.func @body(%arg0: i32, %arg1: memref<512x1024xf32, #tpu.memory_space<vmem>>, %arg2: memref<512x1024xf32, #tpu.memory_space<vmem>>, %arg3: memref<1024x1024xf32, #tpu.memory_space<vmem>>, %arg4: memref<1024x2048xf32, #tpu.memory_space<vmem>>, %arg5: memref<2048x1024xf32, #tpu.memory_space<vmem>>, %arg6: memref<1024x64xf32, #tpu.memory_space<vmem>>, %arg7: memref<512x1xf32, #tpu.memory_space<vmem>>, %arg8: memref<512x64xf32, #tpu.memory_space<vmem>>) attributes {dimension_semantics = [#tpu.dimension_semantics<arbitrary>], iteration_bounds = array<i64: 8>, scalar_prefetch = 0 : i64, scratch_operands = 0 : i64, tpu.core_type = #tpu.core_type<tc>, window_params = [{transform_indices = @transform_0, window_bounds = array<i64: 512, 1024>}, {transform_indices = @transform_1, window_bounds = array<i64: 512, 1024>}, {pipeline_mode = #tpu.pipeline_mode<synchronous>, transform_indices = @transform_2, window_bounds = array<i64: 1024, 1024>}, {pipeline_mode = #tpu.pipeline_mode<synchronous>, transform_indices = @transform_3, window_bounds = array<i64: 1024, 2048>}, {pipeline_mode = #tpu.pipeline_mode<synchronous>, transform_indices = @transform_4, window_bounds = array<i64: 2048, 1024>}, {pipeline_mode = #tpu.pipeline_mode<synchronous>, transform_indices = @transform_5, window_bounds = array<i64: 1024, 64>}, {transform_indices = @transform_6, window_bounds = array<i64: 512, 1>}, {transform_indices = @transform_7, window_bounds = array<i64: 512, 64>}]} {
    %get3A = arith.constant 0 : index
    %get3A_0 = arith.constant 0 : index
    %get3A_1 = vector.load %arg2[%get3A, %get3A_0] : memref<512x1024xf32, #tpu.memory_space<vmem>>, vector<512x1024xf32>
    %get3A_2 = arith.constant 0 : index
    %get3A_3 = arith.constant 0 : index
    %get3A_4 = vector.load %arg1[%get3A_2, %get3A_3] : memref<512x1024xf32, #tpu.memory_space<vmem>>, vector<512x1024xf32>
    %get3A_5 = arith.constant 0 : index
    %get3A_6 = arith.constant 0 : index
    %get3A_7 = vector.load %arg3[%get3A_5, %get3A_6] : memref<1024x1024xf32, #tpu.memory_space<vmem>>, vector<1024x1024xf32>
    %convert_element_type3A = arith.truncf %get3A_4 : vector<512x1024xf32> to vector<512x1024xbf16>
    %convert_element_type3A_8 = arith.truncf %get3A_7 : vector<1024x1024xf32> to vector<1024x1024xbf16>
    %dot_general3A = arith.constant dense<0.000000e+00> : vector<512x1024xf32>
    %dot_general3A_9 = tpu.matmul %convert_element_type3A, %convert_element_type3A_8, %dot_general3A {dimension_numbers = #tpu.dot_dimension_numbers<[1], [0], [0], [1], [0, 0, 1, 1], [], []>, transpose_lhs_hint = false} : vector<512x1024xbf16>, vector<1024x1024xbf16>, vector<512x1024xf32> -> vector<512x1024xf32>
    %add3A = arith.addf %get3A_1, %dot_general3A_9 : vector<512x1024xf32>
    %reduce_sum3A = arith.constant dense<0.000000e+00> : vector<512xf32>
    %reduce_sum3A_10 = vector.multi_reduction <add>, %add3A, %reduce_sum3A [1] : vector<512x1024xf32> to vector<512xf32>
    %broadcast_in_dim3A = vector.shape_cast %reduce_sum3A_10 : vector<512xf32> to vector<512x1xf32>
    %div3A = arith.constant 1.024000e+03 : f32
    %div3A_11 = vector.broadcast %div3A : f32 to vector<512x1xf32>
    %div3A_12 = arith.divf %broadcast_in_dim3A, %div3A_11 : vector<512x1xf32>
    %jit3A = arith.constant 0 : i32
    %reduce_sum3A_13 = arith.constant dense<0.000000e+00> : vector<512xf32>
    %reduce_sum3A_14 = vector.multi_reduction <add>, %add3A, %reduce_sum3A_13 [1] : vector<512x1024xf32> to vector<512xf32>
    %broadcast_in_dim3A_15 = vector.shape_cast %reduce_sum3A_14 : vector<512xf32> to vector<512x1xf32>
    %div3A_16 = arith.constant 1.024000e+03 : f32
    %div3A_17 = vector.broadcast %div3A_16 : f32 to vector<512x1xf32>
    %div3A_18 = arith.divf %broadcast_in_dim3A_15, %div3A_17 : vector<512x1xf32>
    %sub3A = vector.broadcast %div3A_18 : vector<512x1xf32> to vector<512x1024xf32>
    %sub3A_19 = arith.subf %add3A, %sub3A : vector<512x1024xf32>
    %square3A = arith.mulf %sub3A_19, %sub3A_19 : vector<512x1024xf32>
    %convert_element_type3A_20 = arith.sitofp %jit3A : i32 to f32
    %sub3A_21 = arith.constant 1.024000e+03 : f32
    %sub3A_22 = arith.subf %sub3A_21, %convert_element_type3A_20 : f32
    %reduce_sum3A_23 = arith.constant dense<0.000000e+00> : vector<512xf32>
    %reduce_sum3A_24 = vector.multi_reduction <add>, %square3A, %reduce_sum3A_23 [1] : vector<512x1024xf32> to vector<512xf32>
    %broadcast_in_dim3A_25 = vector.shape_cast %reduce_sum3A_24 : vector<512xf32> to vector<512x1xf32>
    %div3A_26 = vector.broadcast %sub3A_22 : f32 to vector<512x1xf32>
    %div3A_27 = arith.divf %broadcast_in_dim3A_25, %div3A_26 : vector<512x1xf32>
    %gt3A = arith.constant 0.000000e+00 : f32
    %gt3A_28 = arith.cmpf ogt, %sub3A_22, %gt3A : f32
    %jit3A_29 = arith.constant 0x7FC00000 : f32
    %broadcast_in_dim3A_30 = vector.broadcast %jit3A_29 : f32 to vector<512x1xf32>
    %select_n3A = arith.select %gt3A_28, %div3A_27, %broadcast_in_dim3A_30 : vector<512x1xf32>
    %sub3A_31 = vector.broadcast %div3A_12 : vector<512x1xf32> to vector<512x1024xf32>
    %sub3A_32 = arith.subf %add3A, %sub3A_31 : vector<512x1024xf32>
    %add3A_33 = arith.constant 9.99999974E-6 : f32
    %add3A_34 = vector.broadcast %add3A_33 : f32 to vector<512x1xf32>
    %add3A_35 = arith.addf %select_n3A, %add3A_34 : vector<512x1xf32>
    %sqrt3A = math.sqrt %add3A_35 : vector<512x1xf32>
    %div3A_36 = vector.broadcast %sqrt3A : vector<512x1xf32> to vector<512x1024xf32>
    %div3A_37 = arith.divf %sub3A_32, %div3A_36 : vector<512x1024xf32>
    %get3A_38 = arith.constant 0 : index
    %get3A_39 = arith.constant 0 : index
    %get3A_40 = vector.load %arg4[%get3A_38, %get3A_39] : memref<1024x2048xf32, #tpu.memory_space<vmem>>, vector<1024x2048xf32>
    %convert_element_type3A_41 = arith.truncf %div3A_37 : vector<512x1024xf32> to vector<512x1024xbf16>
    %convert_element_type3A_42 = arith.truncf %get3A_40 : vector<1024x2048xf32> to vector<1024x2048xbf16>
    %dot_general3A_43 = arith.constant dense<0.000000e+00> : vector<512x2048xf32>
    %dot_general3A_44 = tpu.matmul %convert_element_type3A_41, %convert_element_type3A_42, %dot_general3A_43 {dimension_numbers = #tpu.dot_dimension_numbers<[1], [0], [0], [1], [0, 0, 1, 1], [], []>, transpose_lhs_hint = false} : vector<512x1024xbf16>, vector<1024x2048xbf16>, vector<512x2048xf32> -> vector<512x2048xf32>
    %convert_element_type3A_45 = arith.truncf %dot_general3A_44 : vector<512x2048xf32> to vector<512x2048xbf16>
    %max3A = arith.constant 0.000000e+00 : bf16
    %max3A_46 = vector.broadcast %max3A : bf16 to vector<512x2048xbf16>
    %max3A_47 = arith.maximumf %convert_element_type3A_45, %max3A_46 : vector<512x2048xbf16>
    %get3A_48 = arith.constant 0 : index
    %get3A_49 = arith.constant 0 : index
    %get3A_50 = vector.load %arg5[%get3A_48, %get3A_49] : memref<2048x1024xf32, #tpu.memory_space<vmem>>, vector<2048x1024xf32>
    %convert_element_type3A_51 = arith.truncf %get3A_50 : vector<2048x1024xf32> to vector<2048x1024xbf16>
    %dot_general3A_52 = arith.constant dense<0.000000e+00> : vector<512x1024xf32>
    %dot_general3A_53 = tpu.matmul %max3A_47, %convert_element_type3A_51, %dot_general3A_52 {dimension_numbers = #tpu.dot_dimension_numbers<[1], [0], [0], [1], [0, 0, 1, 1], [], []>, transpose_lhs_hint = false} : vector<512x2048xbf16>, vector<2048x1024xbf16>, vector<512x1024xf32> -> vector<512x1024xf32>
    %add3A_54 = arith.addf %div3A_37, %dot_general3A_53 : vector<512x1024xf32>
    %reduce_sum3A_55 = arith.constant dense<0.000000e+00> : vector<512xf32>
    %reduce_sum3A_56 = vector.multi_reduction <add>, %add3A_54, %reduce_sum3A_55 [1] : vector<512x1024xf32> to vector<512xf32>
    %broadcast_in_dim3A_57 = vector.shape_cast %reduce_sum3A_56 : vector<512xf32> to vector<512x1xf32>
    %div3A_58 = arith.constant 1.024000e+03 : f32
    %div3A_59 = vector.broadcast %div3A_58 : f32 to vector<512x1xf32>
    %div3A_60 = arith.divf %broadcast_in_dim3A_57, %div3A_59 : vector<512x1xf32>
    %jit3A_61 = arith.constant 0 : i32
    %reduce_sum3A_62 = arith.constant dense<0.000000e+00> : vector<512xf32>
    %reduce_sum3A_63 = vector.multi_reduction <add>, %add3A_54, %reduce_sum3A_62 [1] : vector<512x1024xf32> to vector<512xf32>
    %broadcast_in_dim3A_64 = vector.shape_cast %reduce_sum3A_63 : vector<512xf32> to vector<512x1xf32>
    %div3A_65 = arith.constant 1.024000e+03 : f32
    %div3A_66 = vector.broadcast %div3A_65 : f32 to vector<512x1xf32>
    %div3A_67 = arith.divf %broadcast_in_dim3A_64, %div3A_66 : vector<512x1xf32>
    %sub3A_68 = vector.broadcast %div3A_67 : vector<512x1xf32> to vector<512x1024xf32>
    %sub3A_69 = arith.subf %add3A_54, %sub3A_68 : vector<512x1024xf32>
    %square3A_70 = arith.mulf %sub3A_69, %sub3A_69 : vector<512x1024xf32>
    %convert_element_type3A_71 = arith.sitofp %jit3A_61 : i32 to f32
    %sub3A_72 = arith.constant 1.024000e+03 : f32
    %sub3A_73 = arith.subf %sub3A_72, %convert_element_type3A_71 : f32
    %reduce_sum3A_74 = arith.constant dense<0.000000e+00> : vector<512xf32>
    %reduce_sum3A_75 = vector.multi_reduction <add>, %square3A_70, %reduce_sum3A_74 [1] : vector<512x1024xf32> to vector<512xf32>
    %broadcast_in_dim3A_76 = vector.shape_cast %reduce_sum3A_75 : vector<512xf32> to vector<512x1xf32>
    %div3A_77 = vector.broadcast %sub3A_73 : f32 to vector<512x1xf32>
    %div3A_78 = arith.divf %broadcast_in_dim3A_76, %div3A_77 : vector<512x1xf32>
    %gt3A_79 = arith.constant 0.000000e+00 : f32
    %gt3A_80 = arith.cmpf ogt, %sub3A_73, %gt3A_79 : f32
    %jit3A_81 = arith.constant 0x7FC00000 : f32
    %broadcast_in_dim3A_82 = vector.broadcast %jit3A_81 : f32 to vector<512x1xf32>
    %select_n3A_83 = arith.select %gt3A_80, %div3A_78, %broadcast_in_dim3A_82 : vector<512x1xf32>
    %sub3A_84 = vector.broadcast %div3A_60 : vector<512x1xf32> to vector<512x1024xf32>
    %sub3A_85 = arith.subf %add3A_54, %sub3A_84 : vector<512x1024xf32>
    %add3A_86 = arith.constant 9.99999974E-6 : f32
    %add3A_87 = vector.broadcast %add3A_86 : f32 to vector<512x1xf32>
    %add3A_88 = arith.addf %select_n3A_83, %add3A_87 : vector<512x1xf32>
    %sqrt3A_89 = math.sqrt %add3A_88 : vector<512x1xf32>
    %div3A_90 = vector.broadcast %sqrt3A_89 : vector<512x1xf32> to vector<512x1024xf32>
    %div3A_91 = arith.divf %sub3A_85, %div3A_90 : vector<512x1024xf32>
    %get3A_92 = arith.constant 0 : index
    %get3A_93 = arith.constant 0 : index
    %get3A_94 = vector.load %arg7[%get3A_92, %get3A_93] : memref<512x1xf32, #tpu.memory_space<vmem>>, vector<512x1xf32>
    %mul3A = vector.broadcast %get3A_94 : vector<512x1xf32> to vector<512x1024xf32>
    %mul3A_95 = arith.mulf %div3A_91, %mul3A : vector<512x1024xf32>
    %get3A_96 = arith.constant 0 : index
    %get3A_97 = arith.constant 0 : index
    %get3A_98 = vector.load %arg6[%get3A_96, %get3A_97] : memref<1024x64xf32, #tpu.memory_space<vmem>>, vector<1024x64xf32>
    %convert_element_type3A_99 = arith.truncf %mul3A_95 : vector<512x1024xf32> to vector<512x1024xbf16>
    %convert_element_type3A_100 = arith.truncf %get3A_98 : vector<1024x64xf32> to vector<1024x64xbf16>
    %dot_general3A_101 = arith.constant dense<0.000000e+00> : vector<512x64xf32>
    %dot_general3A_102 = tpu.matmul %convert_element_type3A_99, %convert_element_type3A_100, %dot_general3A_101 {dimension_numbers = #tpu.dot_dimension_numbers<[1], [0], [0], [1], [0, 0, 1, 1], [], []>, transpose_lhs_hint = false} : vector<512x1024xbf16>, vector<1024x64xbf16>, vector<512x64xf32> -> vector<512x64xf32>
    %swap3A = arith.constant 0 : index
    %swap3A_103 = arith.constant 0 : index
    %swap3A_104 = vector.load %arg8[%swap3A, %swap3A_103] : memref<512x64xf32, #tpu.memory_space<vmem>>, vector<512x64xf32>
    tpu.vector_store %arg8[%swap3A, %swap3A_103], %dot_general3A_102 {strides = array<i32>} : memref<512x64xf32, #tpu.memory_space<vmem>>, vector<512x64xf32>,
    return
  }
  func.func @transform_0(%arg0: i32) -> (i32, i32) {
    %c0_i32 = arith.constant 0 : i32
    %c0_i32_0 = arith.constant 0 : i32
    return %arg0, %c0_i32 : i32, i32
  }
  func.func @transform_1(%arg0: i32) -> (i32, i32) {
    %c0_i32 = arith.constant 0 : i32
    %c0_i32_0 = arith.constant 0 : i32
    return %arg0, %c0_i32 : i32, i32
  }
  func.func @transform_2(%arg0: i32) -> (i32, i32) {
    %c0_i32 = arith.constant 0 : i32
    %c0_i32_0 = arith.constant 0 : i32
    %c0_i32_1 = arith.constant 0 : i32
    return %c0_i32, %c0_i32_0 : i32, i32
  }
  func.func @transform_3(%arg0: i32) -> (i32, i32) {
    %c0_i32 = arith.constant 0 : i32
    %c0_i32_0 = arith.constant 0 : i32
    %c0_i32_1 = arith.constant 0 : i32
    return %c0_i32, %c0_i32_0 : i32, i32
  }
  func.func @transform_4(%arg0: i32) -> (i32, i32) {
    %c0_i32 = arith.constant 0 : i32
    %c0_i32_0 = arith.constant 0 : i32
    %c0_i32_1 = arith.constant 0 : i32
    return %c0_i32, %c0_i32_0 : i32, i32
  }
  func.func @transform_5(%arg0: i32) -> (i32, i32) {
    %c0_i32 = arith.constant 0 : i32
    %c0_i32_0 = arith.constant 0 : i32
    %c0_i32_1 = arith.constant 0 : i32
    return %c0_i32, %c0_i32_0 : i32, i32
  }
  func.func @transform_6(%arg0: i32) -> (i32, i32) {
    %c0_i32 = arith.constant 0 : i32
    %c0_i32_0 = arith.constant 0 : i32
    return %arg0, %c0_i32 : i32, i32
  }
  func.func @transform_7(%arg0: i32) -> (i32, i32) {
    %c0_i32 = arith.constant 0 : i32
    %c0_i32_0 = arith.constant 0 : i32
    return %arg0, %c0_i32 : i32, i32
  }
}

module attributes {stable_mosaic.version = 14 : i64} {
  func.func @body(%arg0: memref<512x8x64xf32, #tpu.memory_space<vmem>>, %arg1: memref<512x8xi32, #tpu.memory_space<vmem>>, %arg2: memref<512x8xf32, #tpu.memory_space<vmem>>, %arg3: memref<64x64xf32, #tpu.memory_space<vmem>>, %arg4: memref<1x64xf32, #tpu.memory_space<vmem>>, %arg5: memref<1x64xf32, #tpu.memory_space<vmem>>, %arg6: memref<1x1xf32, #tpu.memory_space<vmem>>, %arg7: memref<512x8xi32, #tpu.memory_space<vmem>>, %arg8: memref<512x8x64xi32, #tpu.memory_space<vmem>>) attributes {dimension_semantics = [], scalar_prefetch = 0 : i64, scratch_operands = 1 : i64, tpu.core_type = #tpu.core_type<tc>} {
    %get3A = arith.constant 0 : index
    %get3A_0 = arith.constant 0 : index
    %get3A_1 = vector.load %arg3[%get3A, %get3A_0] : memref<64x64xf32, #tpu.memory_space<vmem>>, vector<64x64xf32>
    %exp3A = math.exp %get3A_1 : vector<64x64xf32>
    %get3A_2 = arith.constant 0 : index
    %get3A_3 = arith.constant 0 : index
    %get3A_4 = vector.load %arg4[%get3A_2, %get3A_3] : memref<1x64xf32, #tpu.memory_space<vmem>>, vector<1x64xf32>
    %get3A_5 = arith.constant 0 : index
    %get3A_6 = arith.constant 0 : index
    %get3A_7 = vector.load %arg5[%get3A_5, %get3A_6] : memref<1x64xf32, #tpu.memory_space<vmem>>, vector<1x64xf32>
    %iota3A = tpu.iota {dimensions = array<i32: 1>} : vector<8x64xi32>
    %get3A_8 = arith.constant 0 : index
    %get3A_9 = arith.constant 0 : index
    %get3A_10 = arith.constant 0 : index
    %get3A_11 = vector.load %arg0[%get3A_8, %get3A_9, %get3A_10] : memref<512x8x64xf32, #tpu.memory_space<vmem>>, vector<1x8x64xf32>
    %squeeze3A = vector.shape_cast %get3A_11 : vector<1x8x64xf32> to vector<8x64xf32>
    %add3A = vector.broadcast %get3A_4 : vector<1x64xf32> to vector<8x64xf32>
    %add3A_12 = arith.addf %add3A, %squeeze3A : vector<8x64xf32>
    %get3A_13 = arith.constant 0 : index
    %get3A_14 = arith.constant 0 : index
    %get3A_15 = vector.load %arg2[%get3A_13, %get3A_14] : memref<512x8xf32, #tpu.memory_space<vmem>>, vector<512x8xf32>
    %reduce_sum3A = arith.constant dense<0.000000e+00> : vector<8xf32>
    %reduce_sum3A_16 = vector.multi_reduction <add>, %get3A_15, %reduce_sum3A [0] : vector<512x8xf32> to vector<8xf32>
    %convert_element_type3A = arith.fptosi %reduce_sum3A_16 : vector<8xf32> to vector<8xi32>
    %reduce_max3A = vector.shape_cast %convert_element_type3A : vector<8xi32> to vector<1x8xi32>
    %reduce_max3A_17 = arith.constant dense<-2147483648> : vector<1xi32>
    %reduce_max3A_18 = vector.multi_reduction <maxsi>, %reduce_max3A, %reduce_max3A_17 [1] : vector<1x8xi32> to vector<1xi32>
    %reduce_max3A_19 = vector.shape_cast %reduce_max3A_18 : vector<1xi32> to vector<1x1xi32>
    %reduce_max3A_20 = vector.extract %reduce_max3A_19[0, 0] : i32 from vector<1x1xi32>
    %while3A = arith.constant 1 : i32
    %while3A_21 = arith.subi %reduce_max3A_20, %while3A : i32
    %while3A_22 = arith.addi %while3A, %while3A_21 : i32
    %while3A_23 = arith.constant 1 : i32
    %while3A_24 = arith.divsi %while3A_21, %while3A_23 : i32
    %while3A_25 = arith.muli %while3A_24, %while3A_23 : i32
    %while3A_26 = arith.addi %while3A, %while3A_25 : i32
    %while3A_27 = arith.constant 1 : i32
    %while3A_28:2 = scf.for %while3A_144 = %while3A to %while3A_26 step %while3A_27 iter_args(%while3A_145 = %add3A_12, %while3A_146 = %add3A_12) -> (vector<8x64xf32>, vector<8x64xf32>)  : i32 {
      %get3A_147 = arith.index_cast %while3A_144 : i32 to index
      %get3A_148 = arith.constant 0 : index
      %get3A_149 = arith.constant 0 : index
      %get3A_150 = vector.load %arg0[%get3A_147, %get3A_148, %get3A_149] : memref<512x8x64xf32, #tpu.memory_space<vmem>>, vector<1x8x64xf32>
      %squeeze3A_151 = vector.shape_cast %get3A_150 : vector<1x8x64xf32> to vector<8x64xf32>
      %get3A_152 = arith.index_cast %while3A_144 : i32 to index
      %get3A_153 = arith.constant 0 : index
      %get3A_154 = vector.load %arg2[%get3A_152, %get3A_153] : memref<512x8xf32, #tpu.memory_space<vmem>>, vector<1x8xf32>
      %reshape3A_155 = vector.shape_cast %get3A_154 : vector<1x8xf32> to vector<8x1xf32>
      %gt3A = arith.constant 0.000000e+00 : f32
      %gt3A_156 = vector.broadcast %gt3A : f32 to vector<8x1xf32>
      %gt3A_157 = arith.cmpf ogt, %reshape3A_155, %gt3A_156 : vector<8x1xf32>
      %reduce_max3A_158 = arith.constant dense<0xFF800000> : vector<8xf32>
      %reduce_max3A_159 = vector.multi_reduction <maximumf>, %while3A_145, %reduce_max3A_158 [1] : vector<8x64xf32> to vector<8xf32>
      %broadcast_in_dim3A_160 = vector.shape_cast %reduce_max3A_159 : vector<8xf32> to vector<8x1xf32>
      %sub3A_161 = vector.broadcast %broadcast_in_dim3A_160 : vector<8x1xf32> to vector<8x64xf32>
      %sub3A_162 = arith.subf %while3A_145, %sub3A_161 : vector<8x64xf32>
      %exp3A_163 = math.exp %sub3A_162 : vector<8x64xf32>
      %dot_general3A_164 = arith.constant dense<0.000000e+00> : vector<8x64xf32>
      %dot_general3A_165 = tpu.matmul %exp3A_163, %exp3A, %dot_general3A_164 {dimension_numbers = #tpu.dot_dimension_numbers<[1], [0], [0], [1], [0, 0, 1, 1], [], []>, precision = #tpu.contract_precision<fp32>, transpose_lhs_hint = false} : vector<8x64xf32>, vector<64x64xf32>, vector<8x64xf32> -> vector<8x64xf32>
      %log3A_166 = math.log %dot_general3A_165 : vector<8x64xf32>
      %add3A_167 = vector.broadcast %broadcast_in_dim3A_160 : vector<8x1xf32> to vector<8x64xf32>
      %add3A_168 = arith.addf %log3A_166, %add3A_167 : vector<8x64xf32>
      %add3A_169 = arith.addf %add3A_168, %squeeze3A_151 : vector<8x64xf32>
      %broadcast_in_dim3A_170 = vector.shape_cast %gt3A_157 : vector<8x1xi1> to vector<8x1xi1>
      %broadcast_in_dim3A_171 = vector.broadcast %broadcast_in_dim3A_170 : vector<8x1xi1> to vector<8x64xi1>
      %select_n3A_172 = arith.select %broadcast_in_dim3A_171, %add3A_169, %while3A_145 : vector<8x64xi1>, vector<8x64xf32>
      %broadcast_in_dim3A_173 = vector.shape_cast %while3A_146 : vector<8x64xf32> to vector<8x64x1xf32>
      %broadcast_in_dim3A_174 = vector.shape_cast %get3A_1 : vector<64x64xf32> to vector<1x64x64xf32>
      %add3A_175 = vector.broadcast %broadcast_in_dim3A_173 : vector<8x64x1xf32> to vector<8x64x64xf32>
      %add3A_176 = vector.broadcast %broadcast_in_dim3A_174 : vector<1x64x64xf32> to vector<8x64x64xf32>
      %add3A_177 = arith.addf %add3A_175, %add3A_176 : vector<8x64x64xf32>
      %reduce_max3A_178 = arith.constant dense<0xFF800000> : vector<8x64xf32>
      %reduce_max3A_179 = vector.multi_reduction <maximumf>, %add3A_177, %reduce_max3A_178 [1] : vector<8x64x64xf32> to vector<8x64xf32>
      %argmax3A = tpu.reduce_index %add3A_177 {axis = 1 : i32, kind = #tpu.reduction_kind<arg_max>} : vector<8x64x64xf32> -> vector<8x64xi32>
      %broadcast_in_dim3A_180 = vector.shape_cast %gt3A_157 : vector<8x1xi1> to vector<8x1xi1>
      %broadcast_in_dim3A_181 = vector.broadcast %broadcast_in_dim3A_180 : vector<8x1xi1> to vector<8x64xi1>
      %select_n3A_182 = arith.select %broadcast_in_dim3A_181, %argmax3A, %iota3A : vector<8x64xi1>, vector<8x64xi32>
      %broadcast_in_dim3A_183 = vector.shape_cast %select_n3A_182 : vector<8x64xi32> to vector<1x8x64xi32>
      %swap3A_184 = arith.index_cast %while3A_144 : i32 to index
      %swap3A_185 = arith.constant 0 : index
      %swap3A_186 = arith.constant 0 : index
      %swap3A_187 = vector.load %arg8[%swap3A_184, %swap3A_185, %swap3A_186] : memref<512x8x64xi32, #tpu.memory_space<vmem>>, vector<1x8x64xi32>
      tpu.vector_store %arg8[%swap3A_184, %swap3A_185, %swap3A_186], %broadcast_in_dim3A_183 {strides = array<i32>} : memref<512x8x64xi32, #tpu.memory_space<vmem>>, vector<1x8x64xi32>,
      %add3A_188 = arith.addf %reduce_max3A_179, %squeeze3A_151 : vector<8x64xf32>
      %broadcast_in_dim3A_189 = vector.shape_cast %gt3A_157 : vector<8x1xi1> to vector<8x1xi1>
      %broadcast_in_dim3A_190 = vector.broadcast %broadcast_in_dim3A_189 : vector<8x1xi1> to vector<8x64xi1>
      %select_n3A_191 = arith.select %broadcast_in_dim3A_190, %add3A_188, %while3A_146 : vector<8x64xi1>, vector<8x64xf32>
      scf.yield %select_n3A_172, %select_n3A_191 : vector<8x64xf32>, vector<8x64xf32>
    }
    %while3A_29 = arith.constant 1 : i32
    %while3A_30:2 = scf.for %while3A_144 = %while3A_26 to %while3A_22 step %while3A_29 iter_args(%while3A_145 = %while3A_28#0, %while3A_146 = %while3A_28#1) -> (vector<8x64xf32>, vector<8x64xf32>)  : i32 {
      %get3A_147 = arith.index_cast %while3A_144 : i32 to index
      %get3A_148 = arith.constant 0 : index
      %get3A_149 = arith.constant 0 : index
      %get3A_150 = vector.load %arg0[%get3A_147, %get3A_148, %get3A_149] : memref<512x8x64xf32, #tpu.memory_space<vmem>>, vector<1x8x64xf32>
      %squeeze3A_151 = vector.shape_cast %get3A_150 : vector<1x8x64xf32> to vector<8x64xf32>
      %get3A_152 = arith.index_cast %while3A_144 : i32 to index
      %get3A_153 = arith.constant 0 : index
      %get3A_154 = vector.load %arg2[%get3A_152, %get3A_153] : memref<512x8xf32, #tpu.memory_space<vmem>>, vector<1x8xf32>
      %reshape3A_155 = vector.shape_cast %get3A_154 : vector<1x8xf32> to vector<8x1xf32>
      %gt3A = arith.constant 0.000000e+00 : f32
      %gt3A_156 = vector.broadcast %gt3A : f32 to vector<8x1xf32>
      %gt3A_157 = arith.cmpf ogt, %reshape3A_155, %gt3A_156 : vector<8x1xf32>
      %reduce_max3A_158 = arith.constant dense<0xFF800000> : vector<8xf32>
      %reduce_max3A_159 = vector.multi_reduction <maximumf>, %while3A_145, %reduce_max3A_158 [1] : vector<8x64xf32> to vector<8xf32>
      %broadcast_in_dim3A_160 = vector.shape_cast %reduce_max3A_159 : vector<8xf32> to vector<8x1xf32>
      %sub3A_161 = vector.broadcast %broadcast_in_dim3A_160 : vector<8x1xf32> to vector<8x64xf32>
      %sub3A_162 = arith.subf %while3A_145, %sub3A_161 : vector<8x64xf32>
      %exp3A_163 = math.exp %sub3A_162 : vector<8x64xf32>
      %dot_general3A_164 = arith.constant dense<0.000000e+00> : vector<8x64xf32>
      %dot_general3A_165 = tpu.matmul %exp3A_163, %exp3A, %dot_general3A_164 {dimension_numbers = #tpu.dot_dimension_numbers<[1], [0], [0], [1], [0, 0, 1, 1], [], []>, precision = #tpu.contract_precision<fp32>, transpose_lhs_hint = false} : vector<8x64xf32>, vector<64x64xf32>, vector<8x64xf32> -> vector<8x64xf32>
      %log3A_166 = math.log %dot_general3A_165 : vector<8x64xf32>
      %add3A_167 = vector.broadcast %broadcast_in_dim3A_160 : vector<8x1xf32> to vector<8x64xf32>
      %add3A_168 = arith.addf %log3A_166, %add3A_167 : vector<8x64xf32>
      %add3A_169 = arith.addf %add3A_168, %squeeze3A_151 : vector<8x64xf32>
      %broadcast_in_dim3A_170 = vector.shape_cast %gt3A_157 : vector<8x1xi1> to vector<8x1xi1>
      %broadcast_in_dim3A_171 = vector.broadcast %broadcast_in_dim3A_170 : vector<8x1xi1> to vector<8x64xi1>
      %select_n3A_172 = arith.select %broadcast_in_dim3A_171, %add3A_169, %while3A_145 : vector<8x64xi1>, vector<8x64xf32>
      %broadcast_in_dim3A_173 = vector.shape_cast %while3A_146 : vector<8x64xf32> to vector<8x64x1xf32>
      %broadcast_in_dim3A_174 = vector.shape_cast %get3A_1 : vector<64x64xf32> to vector<1x64x64xf32>
      %add3A_175 = vector.broadcast %broadcast_in_dim3A_173 : vector<8x64x1xf32> to vector<8x64x64xf32>
      %add3A_176 = vector.broadcast %broadcast_in_dim3A_174 : vector<1x64x64xf32> to vector<8x64x64xf32>
      %add3A_177 = arith.addf %add3A_175, %add3A_176 : vector<8x64x64xf32>
      %reduce_max3A_178 = arith.constant dense<0xFF800000> : vector<8x64xf32>
      %reduce_max3A_179 = vector.multi_reduction <maximumf>, %add3A_177, %reduce_max3A_178 [1] : vector<8x64x64xf32> to vector<8x64xf32>
      %argmax3A = tpu.reduce_index %add3A_177 {axis = 1 : i32, kind = #tpu.reduction_kind<arg_max>} : vector<8x64x64xf32> -> vector<8x64xi32>
      %broadcast_in_dim3A_180 = vector.shape_cast %gt3A_157 : vector<8x1xi1> to vector<8x1xi1>
      %broadcast_in_dim3A_181 = vector.broadcast %broadcast_in_dim3A_180 : vector<8x1xi1> to vector<8x64xi1>
      %select_n3A_182 = arith.select %broadcast_in_dim3A_181, %argmax3A, %iota3A : vector<8x64xi1>, vector<8x64xi32>
      %broadcast_in_dim3A_183 = vector.shape_cast %select_n3A_182 : vector<8x64xi32> to vector<1x8x64xi32>
      %swap3A_184 = arith.index_cast %while3A_144 : i32 to index
      %swap3A_185 = arith.constant 0 : index
      %swap3A_186 = arith.constant 0 : index
      %swap3A_187 = vector.load %arg8[%swap3A_184, %swap3A_185, %swap3A_186] : memref<512x8x64xi32, #tpu.memory_space<vmem>>, vector<1x8x64xi32>
      tpu.vector_store %arg8[%swap3A_184, %swap3A_185, %swap3A_186], %broadcast_in_dim3A_183 {strides = array<i32>} : memref<512x8x64xi32, #tpu.memory_space<vmem>>, vector<1x8x64xi32>,
      %add3A_188 = arith.addf %reduce_max3A_179, %squeeze3A_151 : vector<8x64xf32>
      %broadcast_in_dim3A_189 = vector.shape_cast %gt3A_157 : vector<8x1xi1> to vector<8x1xi1>
      %broadcast_in_dim3A_190 = vector.broadcast %broadcast_in_dim3A_189 : vector<8x1xi1> to vector<8x64xi1>
      %select_n3A_191 = arith.select %broadcast_in_dim3A_190, %add3A_188, %while3A_146 : vector<8x64xi1>, vector<8x64xf32>
      scf.yield %select_n3A_172, %select_n3A_191 : vector<8x64xf32>, vector<8x64xf32>
    }
    %get3A_31 = arith.constant 0 : index
    %get3A_32 = arith.constant 0 : index
    %get3A_33 = arith.constant 0 : index
    %get3A_34 = vector.load %arg0[%get3A_31, %get3A_32, %get3A_33] : memref<512x8x64xf32, #tpu.memory_space<vmem>>, vector<512x8x64xf32>
    %get3A_35 = arith.constant 0 : index
    %get3A_36 = arith.constant 0 : index
    %get3A_37 = vector.load %arg1[%get3A_35, %get3A_36] : memref<512x8xi32, #tpu.memory_space<vmem>>, vector<512x8xi32>
    %get3A_38 = arith.constant 0 : index
    %get3A_39 = arith.constant 0 : index
    %get3A_40 = vector.load %arg2[%get3A_38, %get3A_39] : memref<512x8xf32, #tpu.memory_space<vmem>>, vector<512x8xf32>
    %iota3A_41 = tpu.iota {dimensions = array<i32: 2>} : vector<512x8x64xi32>
    %broadcast_in_dim3A = vector.shape_cast %get3A_37 : vector<512x8xi32> to vector<512x8x1xi32>
    %eq3A = vector.broadcast %broadcast_in_dim3A : vector<512x8x1xi32> to vector<512x8x64xi32>
    %eq3A_42 = arith.cmpi eq, %iota3A_41, %eq3A : vector<512x8x64xi32>
    %convert_element_type3A_43 = arith.extui %eq3A_42 : vector<512x8x64xi1> to vector<512x8x64xi32>
    %convert_element_type3A_44 = arith.sitofp %convert_element_type3A_43 : vector<512x8x64xi32> to vector<512x8x64xf32>
    %mul3A = arith.mulf %get3A_34, %convert_element_type3A_44 : vector<512x8x64xf32>
    %reduce_sum3A_45 = arith.constant dense<0.000000e+00> : vector<512x8xf32>
    %reduce_sum3A_46 = vector.multi_reduction <add>, %mul3A, %reduce_sum3A_45 [2] : vector<512x8x64xf32> to vector<512x8xf32>
    %mul3A_47 = arith.mulf %reduce_sum3A_46, %get3A_40 : vector<512x8xf32>
    %reduce_sum3A_48 = arith.constant dense<0.000000e+00> : vector<8xf32>
    %reduce_sum3A_49 = vector.multi_reduction <add>, %mul3A_47, %reduce_sum3A_48 [0] : vector<512x8xf32> to vector<8xf32>
    %slice3A = vector.extract_strided_slice %get3A_37 {offsets = [0, 0], sizes = [1, 8], strides = [1, 1]} : vector<512x8xi32> to vector<1x8xi32>
    %squeeze3A_50 = vector.shape_cast %slice3A : vector<1x8xi32> to vector<8xi32>
    %broadcast_in_dim3A_51 = vector.shape_cast %squeeze3A_50 : vector<8xi32> to vector<8x1xi32>
    %eq3A_52 = vector.broadcast %broadcast_in_dim3A_51 : vector<8x1xi32> to vector<8x64xi32>
    %eq3A_53 = arith.cmpi eq, %iota3A, %eq3A_52 : vector<8x64xi32>
    %convert_element_type3A_54 = arith.extui %eq3A_53 : vector<8x64xi1> to vector<8x64xi32>
    %convert_element_type3A_55 = arith.sitofp %convert_element_type3A_54 : vector<8x64xi32> to vector<8x64xf32>
    %mul3A_56 = vector.broadcast %get3A_4 : vector<1x64xf32> to vector<8x64xf32>
    %mul3A_57 = arith.mulf %mul3A_56, %convert_element_type3A_55 : vector<8x64xf32>
    %reduce_sum3A_58 = arith.constant dense<0.000000e+00> : vector<8xf32>
    %reduce_sum3A_59 = vector.multi_reduction <add>, %mul3A_57, %reduce_sum3A_58 [1] : vector<8x64xf32> to vector<8xf32>
    %slice3A_60 = vector.extract_strided_slice %convert_element_type3A_44 {offsets = [0, 0, 0], sizes = [511, 8, 64], strides = [1, 1, 1]} : vector<512x8x64xf32> to vector<511x8x64xf32>
    %reshape3A = vector.shape_cast %slice3A_60 : vector<511x8x64xf32> to vector<4088x64xf32>
    %dot_general3A = arith.constant dense<0.000000e+00> : vector<4088x64xf32>
    %dot_general3A_61 = tpu.matmul %reshape3A, %get3A_1, %dot_general3A {dimension_numbers = #tpu.dot_dimension_numbers<[1], [0], [0], [1], [0, 0, 1, 1], [], []>, precision = #tpu.contract_precision<fp32>, transpose_lhs_hint = false} : vector<4088x64xf32>, vector<64x64xf32>, vector<4088x64xf32> -> vector<4088x64xf32>
    %slice3A_62 = vector.extract_strided_slice %convert_element_type3A_44 {offsets = [1, 0, 0], sizes = [511, 8, 64], strides = [1, 1, 1]} : vector<512x8x64xf32> to vector<511x8x64xf32>
    %reshape3A_63 = vector.shape_cast %slice3A_62 : vector<511x8x64xf32> to vector<4088x64xf32>
    %mul3A_64 = arith.mulf %dot_general3A_61, %reshape3A_63 : vector<4088x64xf32>
    %reduce_sum3A_65 = arith.constant dense<0.000000e+00> : vector<4088xf32>
    %reduce_sum3A_66 = vector.multi_reduction <add>, %mul3A_64, %reduce_sum3A_65 [1] : vector<4088x64xf32> to vector<4088xf32>
    %reshape3A_67 = vector.shape_cast %reduce_sum3A_66 : vector<4088xf32> to vector<511x8xf32>
    %slice3A_68 = vector.extract_strided_slice %get3A_40 {offsets = [1, 0], sizes = [511, 8], strides = [1, 1]} : vector<512x8xf32> to vector<511x8xf32>
    %mul3A_69 = arith.mulf %reshape3A_67, %slice3A_68 : vector<511x8xf32>
    %reduce_sum3A_70 = arith.constant dense<0.000000e+00> : vector<8xf32>
    %reduce_sum3A_71 = vector.multi_reduction <add>, %mul3A_69, %reduce_sum3A_70 [0] : vector<511x8xf32> to vector<8xf32>
    %iota3A_72 = tpu.iota {dimensions = array<i32: 0>} : vector<512x8xi32>
    %sub3A = arith.constant 1 : i32
    %sub3A_73 = vector.broadcast %sub3A : i32 to vector<8xi32>
    %sub3A_74 = arith.subi %convert_element_type3A, %sub3A_73 : vector<8xi32>
    %broadcast_in_dim3A_75 = vector.shape_cast %sub3A_74 : vector<8xi32> to vector<1x8xi32>
    %eq3A_76 = vector.broadcast %broadcast_in_dim3A_75 : vector<1x8xi32> to vector<512x8xi32>
    %eq3A_77 = arith.cmpi eq, %iota3A_72, %eq3A_76 : vector<512x8xi32>
    %convert_element_type3A_78 = arith.extui %eq3A_77 : vector<512x8xi1> to vector<512x8xi32>
    %mul3A_79 = arith.muli %get3A_37, %convert_element_type3A_78 : vector<512x8xi32>
    %reduce_sum3A_80 = arith.constant dense<0> : vector<8xi32>
    %reduce_sum3A_81 = vector.multi_reduction <add>, %mul3A_79, %reduce_sum3A_80 [0] : vector<512x8xi32> to vector<8xi32>
    %broadcast_in_dim3A_82 = vector.shape_cast %reduce_sum3A_81 : vector<8xi32> to vector<8x1xi32>
    %eq3A_83 = vector.broadcast %broadcast_in_dim3A_82 : vector<8x1xi32> to vector<8x64xi32>
    %eq3A_84 = arith.cmpi eq, %iota3A, %eq3A_83 : vector<8x64xi32>
    %convert_element_type3A_85 = arith.extui %eq3A_84 : vector<8x64xi1> to vector<8x64xi32>
    %convert_element_type3A_86 = arith.sitofp %convert_element_type3A_85 : vector<8x64xi32> to vector<8x64xf32>
    %mul3A_87 = vector.broadcast %get3A_7 : vector<1x64xf32> to vector<8x64xf32>
    %mul3A_88 = arith.mulf %mul3A_87, %convert_element_type3A_86 : vector<8x64xf32>
    %reduce_sum3A_89 = arith.constant dense<0.000000e+00> : vector<8xf32>
    %reduce_sum3A_90 = vector.multi_reduction <add>, %mul3A_88, %reduce_sum3A_89 [1] : vector<8x64xf32> to vector<8xf32>
    %add3A_91 = arith.addf %reduce_sum3A_49, %reduce_sum3A_59 : vector<8xf32>
    %add3A_92 = arith.addf %add3A_91, %reduce_sum3A_71 : vector<8xf32>
    %add3A_93 = arith.addf %add3A_92, %reduce_sum3A_90 : vector<8xf32>
    %add3A_94 = vector.broadcast %get3A_7 : vector<1x64xf32> to vector<8x64xf32>
    %add3A_95 = arith.addf %while3A_30#0, %add3A_94 : vector<8x64xf32>
    %reduce_max3A_96 = arith.constant dense<0xFF800000> : vector<8xf32>
    %reduce_max3A_97 = vector.multi_reduction <maximumf>, %add3A_95, %reduce_max3A_96 [1] : vector<8x64xf32> to vector<8xf32>
    %broadcast_in_dim3A_98 = vector.shape_cast %reduce_max3A_97 : vector<8xf32> to vector<8x1xf32>
    %squeeze3A_99 = vector.shape_cast %broadcast_in_dim3A_98 : vector<8x1xf32> to vector<8xf32>
    %sub3A_100 = vector.broadcast %broadcast_in_dim3A_98 : vector<8x1xf32> to vector<8x64xf32>
    %sub3A_101 = arith.subf %add3A_95, %sub3A_100 : vector<8x64xf32>
    %exp3A_102 = math.exp %sub3A_101 : vector<8x64xf32>
    %reduce_sum3A_103 = arith.constant dense<0.000000e+00> : vector<8xf32>
    %reduce_sum3A_104 = vector.multi_reduction <add>, %exp3A_102, %reduce_sum3A_103 [1] : vector<8x64xf32> to vector<8xf32>
    %log3A = math.log %reduce_sum3A_104 : vector<8xf32>
    %add3A_105 = arith.addf %squeeze3A_99, %log3A : vector<8xf32>
    %sub3A_106 = arith.subf %add3A_105, %add3A_93 : vector<8xf32>
    %reduce_sum3A_107 = vector.shape_cast %sub3A_106 : vector<8xf32> to vector<1x8xf32>
    %reduce_sum3A_108 = arith.constant dense<0.000000e+00> : vector<1xf32>
    %reduce_sum3A_109 = vector.multi_reduction <add>, %reduce_sum3A_107, %reduce_sum3A_108 [1] : vector<1x8xf32> to vector<1xf32>
    %reduce_sum3A_110 = vector.shape_cast %reduce_sum3A_109 : vector<1xf32> to vector<1x1xf32>
    %reduce_sum3A_111 = vector.extract %reduce_sum3A_110[0, 0] : f32 from vector<1x1xf32>
    %div3A = arith.constant 8.000000e+00 : f32
    %div3A_112 = arith.divf %reduce_sum3A_111, %div3A : f32
    %reshape3A_113 = vector.broadcast %div3A_112 : f32 to vector<1x1xf32>
    %swap3A = arith.constant 0 : index
    %swap3A_114 = arith.constant 0 : index
    %swap3A_115 = vector.load %arg6[%swap3A, %swap3A_114] : memref<1x1xf32, #tpu.memory_space<vmem>>, vector<1x1xf32>
    tpu.vector_store %arg6[%swap3A, %swap3A_114], %reshape3A_113 {strides = array<i32>} : memref<1x1xf32, #tpu.memory_space<vmem>>, vector<1x1xf32>,
    %add3A_116 = vector.broadcast %get3A_7 : vector<1x64xf32> to vector<8x64xf32>
    %add3A_117 = arith.addf %while3A_30#1, %add3A_116 : vector<8x64xf32>
    %reduce_max3A_118 = arith.constant dense<0xFF800000> : vector<8xf32>
    %reduce_max3A_119 = vector.multi_reduction <maximumf>, %add3A_117, %reduce_max3A_118 [1] : vector<8x64xf32> to vector<8xf32>
    %broadcast_in_dim3A_120 = vector.shape_cast %reduce_max3A_119 : vector<8xf32> to vector<8x1xf32>
    %ge3A = vector.broadcast %broadcast_in_dim3A_120 : vector<8x1xf32> to vector<8x64xf32>
    %ge3A_121 = arith.cmpf oge, %add3A_117, %ge3A : vector<8x64xf32>
    %jit3A = arith.constant 64 : i32
    %broadcast_in_dim3A_122 = vector.broadcast %jit3A : i32 to vector<8x64xi32>
    %select_n3A = arith.select %ge3A_121, %iota3A, %broadcast_in_dim3A_122 : vector<8x64xi1>, vector<8x64xi32>
    %reduce_min3A = arith.constant dense<2147483647> : vector<8xi32>
    %reduce_min3A_123 = vector.multi_reduction <minsi>, %select_n3A, %reduce_min3A [1] : vector<8x64xi32> to vector<8xi32>
    %broadcast_in_dim3A_124 = vector.shape_cast %reduce_min3A_123 : vector<8xi32> to vector<8x1xi32>
    %reshape3A_125 = vector.shape_cast %broadcast_in_dim3A_124 : vector<8x1xi32> to vector<1x8xi32>
    %broadcast_in_dim3A_126 = vector.shape_cast %reshape3A_125 : vector<1x8xi32> to vector<1x8xi32>
    %broadcast_in_dim3A_127 = vector.broadcast %broadcast_in_dim3A_126 : vector<1x8xi32> to vector<512x8xi32>
    %swap3A_128 = arith.constant 0 : index
    %swap3A_129 = arith.constant 0 : index
    %swap3A_130 = vector.load %arg7[%swap3A_128, %swap3A_129] : memref<512x8xi32, #tpu.memory_space<vmem>>, vector<512x8xi32>
    tpu.vector_store %arg7[%swap3A_128, %swap3A_129], %broadcast_in_dim3A_127 {strides = array<i32>} : memref<512x8xi32, #tpu.memory_space<vmem>>, vector<512x8xi32>,
    %sub3A_131 = arith.constant 1 : i32
    %sub3A_132 = arith.subi %reduce_max3A_20, %sub3A_131 : i32
    %while3A_133 = arith.constant 0 : i32
    %while3A_134 = arith.subi %sub3A_132, %while3A_133 : i32
    %while3A_135 = arith.addi %while3A_133, %while3A_134 : i32
    %while3A_136 = arith.constant 1 : i32
    %while3A_137 = arith.divsi %while3A_134, %while3A_136 : i32
    %while3A_138 = arith.muli %while3A_137, %while3A_136 : i32
    %while3A_139 = arith.addi %while3A_133, %while3A_138 : i32
    %while3A_140 = arith.constant 1 : i32
    %while3A_141 = scf.for %while3A_144 = %while3A_133 to %while3A_139 step %while3A_140 iter_args(%while3A_145 = %broadcast_in_dim3A_124) -> (vector<8x1xi32>)  : i32 {
      %sub3A_146 = arith.constant 2 : i32
      %sub3A_147 = arith.subi %reduce_max3A_20, %sub3A_146 : i32
      %sub3A_148 = arith.subi %sub3A_147, %while3A_144 : i32
      %add3A_149 = arith.constant 1 : i32
      %add3A_150 = arith.addi %sub3A_148, %add3A_149 : i32
      %get3A_151 = arith.index_cast %add3A_150 : i32 to index
      %get3A_152 = arith.constant 0 : index
      %get3A_153 = arith.constant 0 : index
      %get3A_154 = vector.load %arg8[%get3A_151, %get3A_152, %get3A_153] : memref<512x8x64xi32, #tpu.memory_space<vmem>>, vector<1x8x64xi32>
      %squeeze3A_155 = vector.shape_cast %get3A_154 : vector<1x8x64xi32> to vector<8x64xi32>
      %eq3A_156 = vector.broadcast %while3A_145 : vector<8x1xi32> to vector<8x64xi32>
      %eq3A_157 = arith.cmpi eq, %iota3A, %eq3A_156 : vector<8x64xi32>
      %convert_element_type3A_158 = arith.extui %eq3A_157 : vector<8x64xi1> to vector<8x64xi32>
      %mul3A_159 = arith.muli %squeeze3A_155, %convert_element_type3A_158 : vector<8x64xi32>
      %reduce_sum3A_160 = arith.constant dense<0> : vector<8xi32>
      %reduce_sum3A_161 = vector.multi_reduction <add>, %mul3A_159, %reduce_sum3A_160 [1] : vector<8x64xi32> to vector<8xi32>
      %broadcast_in_dim3A_162 = vector.shape_cast %reduce_sum3A_161 : vector<8xi32> to vector<8x1xi32>
      %reshape3A_163 = vector.shape_cast %broadcast_in_dim3A_162 : vector<8x1xi32> to vector<1x8xi32>
      %swap3A_164 = arith.index_cast %sub3A_148 : i32 to index
      %swap3A_165 = arith.constant 0 : index
      %swap3A_166 = vector.load %arg7[%swap3A_164, %swap3A_165] : memref<512x8xi32, #tpu.memory_space<vmem>>, vector<1x8xi32>
      tpu.vector_store %arg7[%swap3A_164, %swap3A_165], %reshape3A_163 {strides = array<i32>} : memref<512x8xi32, #tpu.memory_space<vmem>>, vector<1x8xi32>,
      scf.yield %broadcast_in_dim3A_162 : vector<8x1xi32>
    }
    %while3A_142 = arith.constant 1 : i32
    %while3A_143 = scf.for %while3A_144 = %while3A_139 to %while3A_135 step %while3A_142 iter_args(%while3A_145 = %while3A_141) -> (vector<8x1xi32>)  : i32 {
      %sub3A_146 = arith.constant 2 : i32
      %sub3A_147 = arith.subi %reduce_max3A_20, %sub3A_146 : i32
      %sub3A_148 = arith.subi %sub3A_147, %while3A_144 : i32
      %add3A_149 = arith.constant 1 : i32
      %add3A_150 = arith.addi %sub3A_148, %add3A_149 : i32
      %get3A_151 = arith.index_cast %add3A_150 : i32 to index
      %get3A_152 = arith.constant 0 : index
      %get3A_153 = arith.constant 0 : index
      %get3A_154 = vector.load %arg8[%get3A_151, %get3A_152, %get3A_153] : memref<512x8x64xi32, #tpu.memory_space<vmem>>, vector<1x8x64xi32>
      %squeeze3A_155 = vector.shape_cast %get3A_154 : vector<1x8x64xi32> to vector<8x64xi32>
      %eq3A_156 = vector.broadcast %while3A_145 : vector<8x1xi32> to vector<8x64xi32>
      %eq3A_157 = arith.cmpi eq, %iota3A, %eq3A_156 : vector<8x64xi32>
      %convert_element_type3A_158 = arith.extui %eq3A_157 : vector<8x64xi1> to vector<8x64xi32>
      %mul3A_159 = arith.muli %squeeze3A_155, %convert_element_type3A_158 : vector<8x64xi32>
      %reduce_sum3A_160 = arith.constant dense<0> : vector<8xi32>
      %reduce_sum3A_161 = vector.multi_reduction <add>, %mul3A_159, %reduce_sum3A_160 [1] : vector<8x64xi32> to vector<8xi32>
      %broadcast_in_dim3A_162 = vector.shape_cast %reduce_sum3A_161 : vector<8xi32> to vector<8x1xi32>
      %reshape3A_163 = vector.shape_cast %broadcast_in_dim3A_162 : vector<8x1xi32> to vector<1x8xi32>
      %swap3A_164 = arith.index_cast %sub3A_148 : i32 to index
      %swap3A_165 = arith.constant 0 : index
      %swap3A_166 = vector.load %arg7[%swap3A_164, %swap3A_165] : memref<512x8xi32, #tpu.memory_space<vmem>>, vector<1x8xi32>
      tpu.vector_store %arg7[%swap3A_164, %swap3A_165], %reshape3A_163 {strides = array<i32>} : memref<512x8xi32, #tpu.memory_space<vmem>>, vector<1x8xi32>,
      scf.yield %broadcast_in_dim3A_162 : vector<8x1xi32>
    }
    return
  }
}

</mosaic_0001>

<sc_bundles>
// kernel: kernel.7.cloned.1.call-start
scs
__scs_entry_jumppad:
0x0: {  	(pc) =	sbr.rel $0x88, $3  }
0x1: {  	(tag) =	ssettag $0x0;
	lr =	simm.s32 $0x1  }
0x2: {  	[smem:$0x3F93] =	sst lr;
	_ =	strace $0xD0000000  }
0x3: {  	_ = 	snop  }
0x4: {  	_ = 	snop  }
0x5: {  	_ = 	snop  }
0x6: {  	_ = 	snop  }
0x7: {  	_ = 	snop  }
__scs_overlays_trampoline_lowered:
0x8: {  	[smem:$0x3FA2] =	sst s0  }
0x9: {  	[smem:$0x3FA3] =	sst s1  }
0xa: {  	[smem:$0x3FA4] =	sst s2  }
0xb: {  	[smem:$0x3FA5] =	sst s3  }
0xc: {  	[smem:$0x3FA6] =	sst s4  }
0xd: {  	[smem:$0x3FA7] =	sst s5  }
0xe: {  	[smem:$0x3FA8] =	sst s6  }
0xf: {  	[smem:$0x3FA9] =	sst s7  }
0x10: {  	[smem:$0x3FAA] =	sst s8  }
0x11: {  	[smem:$0x3FAB] =	sst s9;
	s0 =	simm.s32 @!p0 $0x0  }
0x12: {  	s1 =	sld [smem:$0x3F91];
	s0 =	simm.s32 @p0 $0x1  }
0x13: {  	[smem:$0x3FAC] =	sst s0;
	s0 =	simm.s32 @!p1 $0x0  }
0x14: {  	s2 =	sld [smem:$0x3F90];
	s0 =	simm.s32 @p1 $0x1  }
0x15: {  	[smem:$0x3FAD] =	sst s0;
	s0 =	simm.s32 @!p2 $0x0  }
0x16: {  	s3 =	sld [smem:$0x3FDB];
	s0 =	simm.s32 @p2 $0x1  }
0x17: {  	s4 =	simm.s32 $0x1BF5;
	[smem:$0x3FAF] =	sst s0  }
0x18: {  	s0 =	sld [smem:$0x3F92];
	_ =	swait.ge [sflag:s4], $0x0  }
0x19: {  	s7 =	sld [smem:$0x3F93]  }
0x1a: {  	s8 =	sadd.s32 $0xFFFFE003, lr  }
0x1b: {  	s9 =	sadd.s32 $0xFFFFFEF7, lr;
	s5 =	simm.s32 $0xFFFFFFFF;
	p2 =	slt.u32 s8, $0xFFFFF086  }
0x1c: {  	p1 =	slt.u32 s9, $0xF7A;
	s5 =	simm.s32 @!p2 $0x0  }
0x1d: {  	s5 =	simm.s32 @p1 $0x1;
	p0 =	seq.s32 s7, s2  }
0x1e: {  	s7 =	smul.u32 @!p0 $0xF7A, s2;
	p2 =	seq.s32 @!p0 s5, $0x0  }
0x1f: {  	s9 =	smul.u32 $0xF7A, s1;
	s8 =	simm.s32 @!p0 $0x1BF5;
	p2 =	por !p2, p0  }
0x20: {  	[sflag:s8] =	ssyncset.s32 @!p0 $0xFFFFF086;
	s6 =	sadd.s32 @!p0 s3, s7;
	s7 =	simm.s32 @!p0 $0x108  }
0x21: {  	s3 =	sadd.s32 s3, s9;
	s6 =	sadd.s32 @!p0 $0x88, s6;
	s7 =	simm.s32 @p2 $0x1082  }
0x22: {  	[simem:s7], [sflag:s8] =	dma.local @!p0 [hbm:s6], $0xF7A  }
0x23: {  	s9 =	sor.u32 $0xD0000000, s2;
	s6 =	simm.s32 $0x108;
	_ =	swait.ge @!p0 [sflag:s8], $0x0  }
0x24: {  	s3 =	sadd.s32 $0x88, s3;
	s6 =	simm.s32 @!p1 $0x1082;
	[sflag:s4] =	ssyncset.s32 $0xFFFFF086  }
0x25: {  	[simem:s6], [sflag:s4] =	dma.local [hbm:s3], $0xF7A  }
0x26: {  	[smem:$0x3F93] =	sst s1;
	(tag) =	ssettag s2;
	_ =	strace s9  }
0x27: {  	s1 =	sld [smem:$0x3FA3]  }
0x28: {  	s2 =	sld [smem:$0x3FA4]  }
0x29: {  	s4 =	sld [smem:$0x3FA6]  }
0x2a: {  	p0 =	seq.s32 s5, $0x0;
	s5 =	sld [smem:$0x3FA7]  }
0x2b: {  	s6 =	sld [smem:$0x3FA8]  }
0x2c: {  	s7 =	sld [smem:$0x3FA9]  }
0x2d: {  	s3 =	simm.s32 $0x108;
	s8 =	sld [smem:$0x3FAA]  }
0x2e: {  	s3 =	simm.s32 @!p0 $0x1082;
	s9 =	sld [smem:$0x3FAB]  }
0x2f: {  	lr =	sadd.s32 s0, s3;
	s0 =	sld [smem:$0x3FA2]  }
0x30: {  	s3 =	sld [smem:$0x3FA5]  }
0x31: {  	[smem:$0x3FAE] =	sst s10  }
0x32: {  	s10 =	sld [smem:$0x3FAC];
	_ =	sdelay $0x3  }
0x33: {  	p0 =	seq.s32 s10, $0x1;
	s10 =	sld [smem:$0x3FAE];
	_ =	sdelay $0x3  }
0x34: {  	[smem:$0x3FAE] =	sst s10  }
0x35: {  	s10 =	sld [smem:$0x3FAD];
	_ =	sdelay $0x3  }
0x36: {  	p1 =	seq.s32 s10, $0x1;
	s10 =	sld [smem:$0x3FAE];
	_ =	sdelay $0x3  }
0x37: {  	[smem:$0x3FAE] =	sst s10  }
0x38: {  	s10 =	sld [smem:$0x3FAF]  }
0x39: {  	_ = 	snop;
	(pc) =	sbr.ind lr, $3  }
0x3a: {  	_ = 	snop  }
0x3b: {  	_ = 	snop  }
0x3c: {  	p2 =	seq.s32 s10, $0x1;
	s10 =	sld [smem:$0x3FAE]  }
0x3d: {  	_ =	shalt  }
0x3e: {  	_ =	shalt  }
0x3f: {  	_ =	shalt  }
0x40: {  	_ =	shalt  }
0x41: {  	_ =	shalt  }
0x42: {  	_ =	shalt  }
0x43: {  	_ =	shalt  }
0x44: {  	_ =	shalt  }
0x45: {  	_ =	shalt  }
0x46: {  	_ =	shalt  }
0x47: {  	_ =	shalt  }
0x48: {  	_ =	shalt  }
0x49: {  	_ =	shalt  }
0x4a: {  	_ =	shalt  }
0x4b: {  	_ =	shalt  }
0x4c: {  	_ =	shalt  }
0x4d: {  	_ =	shalt  }
0x4e: {  	_ =	shalt  }
0x4f: {  	_ =	shalt  }
0x50: {  	_ =	shalt  }
0x51: {  	_ =	shalt  }
0x52: {  	_ =	shalt  }
0x53: {  	_ =	shalt  }
0x54: {  	_ =	shalt  }
0x55: {  	_ =	shalt  }
0x56: {  	_ =	shalt  }
0x57: {  	_ =	shalt  }
0x58: {  	_ =	shalt  }
0x59: {  	_ =	shalt  }
0x5a: {  	_ =	shalt  }
0x5b: {  	_ =	shalt  }
0x5c: {  	_ =	shalt  }
0x5d: {  	_ =	shalt  }
0x5e: {  	_ =	shalt  }
0x5f: {  	_ =	shalt  }
0x60: {  	_ =	shalt  }
0x61: {  	_ =	shalt  }
0x62: {  	_ =	shalt  }
0x63: {  	_ =	shalt  }
0x64: {  	_ =	shalt  }
0x65: {  	_ =	shalt  }
0x66: {  	_ =	shalt  }
0x67: {  	_ =	shalt  }
0x68: {  	_ =	shalt  }
0x69: {  	_ =	shalt  }
0x6a: {  	_ =	shalt  }
0x6b: {  	_ =	shalt  }
0x6c: {  	_ =	shalt  }
0x6d: {  	_ =	shalt  }
0x6e: {  	_ =	shalt  }
0x6f: {  	_ =	shalt  }
0x70: {  	_ =	shalt  }
0x71: {  	_ =	shalt  }
0x72: {  	_ =	shalt  }
0x73: {  	_ =	shalt  }
0x74: {  	_ =	shalt  }
0x75: {  	_ =	shalt  }
0x76: {  	_ =	shalt  }
0x77: {  	_ =	shalt  }
0x78: {  	_ =	shalt  }
0x79: {  	_ =	shalt  }
0x7a: {  	_ =	shalt  }
0x7b: {  	_ =	shalt  }
0x7c: {  	_ =	shalt  }
0x7d: {  	_ =	shalt  }
0x7e: {  	_ =	shalt  }
0x7f: {  	_ =	shalt  }
0x80: {  	_ =	shalt  }
0x81: {  	_ =	shalt  }
0x82: {  	_ =	shalt  }
0x83: {  	_ =	shalt  }
0x84: {  	_ =	shalt  }
0x85: {  	_ =	shalt  }
0x86: {  	_ =	shalt  }
0x87: {  	_ =	shalt  }
.Lfunc_end0:
.L_simem_size_0:
called_computation_lowered:
.L_overlay_start_0:
0x88: {  	s2 =	sld [smem:$0x3FD9]  }
0x89: {  	s3 =	sld [smem:$0x3FFE];
	_ =	sdelay $0x1  }
0x8a: {  	s1 =	srdreg.scid  }
0x8b: {  	s0 =	sand.u32 $0x1, s1  }
0x8c: {  	s14 =	sshll.u32 s0, $0xA;
	s2 =	sadd.s32 s3, s2  }
0x8d: {  	s2 =	sadd.s32 s2, s14  }
0x8e: {  	[smem:$0x3FBA] =	sst s2  }
0x8f: {  	_ = 	snop  }
0x90: {  	s2 =	sld [smem:$0x3FD0];
	_ =	sdelay $0x2  }
0x91: {  	s4 =	simm.s32 $0xA;
	s5 =	simm.s32 $0x10;
	s15 =	sld [smem:$0x3FC6]  }
0x92: {  	[smem:s5], [sflag:s4] =	dma.local [hbm:s2], $0x1  }
0x93: {  	_ =	swait.eq [sflag:s4], $0x1  }
0x94: {  	[sflag:s4] =	ssyncset.done $0x0  }
0x95: {  	[sflag:s4] =	ssyncadd.s32 $0xFFFFFFFF  }
0x96: {  	s16 =	sld [smem:$0x11];
	(tm) =	ssettm $0x1  }
0x97: {  	s17 =	sld [smem:$0x3FFB];
	_ =	sdelay $0x3  }
0x98: {  	_ =	strace s17  }
0x99: {  	s4 =	sld [smem:$0x3FFC];
	_ =	sdelay $0x3  }
0x9a: {  	_ =	strace s4  }
0x9b: {  	s4 =	sld [smem:$0x3FFD];
	_ =	sdelay $0x3  }
0x9c: {  	_ =	strace s4  }
0x9d: {  	_ =	strace $0x8FFFFFFF  }
0x9e: {  	s18 =	sld [smem:$0x3FDB];
	_ =	sdelay $0x1  }
0x9f: {  	s19 =	simm.s32 $_scs_section_size  }
0xa0: {  	s6 =	simm.s32 $_size__tile_overlayer_lowered;
	s7 =	simm.s32 $_tile_overlayer_lowered  }
0xa1: {  	s22 =	simm.s32 $0x1BFF;
	s21 =	sshll.u32 s7, $0x1;
	s4 =	sadd.s32 s19, s18  }
0xa2: {  	s8 =	simm.s32 $0x0;
	s20 =	sshll.u32 s6, $0x1;
	s6 =	sadd.s32 s21, s4  }
0xa3: {  	[timem:s8], [sflag:s22] =	dma.local [hbm:s6], s20  }
0xa4: {  	_ =	swait.ge [sflag:s22], s20  }
0xa5: {  	s5 =	ssub.s32 $0x0, s20;
	[sflag:s22] =	ssyncset.done $0x0  }
0xa6: {  	[sflag:s22] =	ssyncadd.s32 s5;
	_ =	sdelay $0x1  }
0xa7: {  	s23 =	simm.s32 $0x1B8B  }
0xa8: {  	_ =	swait.ge [sflag:s23], $0x1  }
0xa9: {  	[sflag:s23] =	ssyncset.done $0x0  }
0xaa: {  	s25 =	simm.s32 $0x1B8E;
	s24 =	sld [smem:$0x3FFE];
	[sflag:s23] =	ssyncadd.s32 $0xFFFFFFFF  }
0xab: {  	s26 =	simm.s32 $execute0_lowered;
	[smem:$0x3FD2] =	sst s25  }
0xac: {  	s6 =	sshll.u32 s26, $0x1;
	_ =	strace $0x80000046;
	[dreg:$0x1] =	wrdreg $0xFFFFFFFF  }
0xad: {  	s28 =	simm.s32 $_size_execute0_lowered;
	s4 =	sadd.s32 s4, s6;
	[dreg:$0x0] =	wrdreg $0x0  }
0xae: {  	s6 =	sshll.u32 s28, $0x1;
	[dreg:$0x2] =	wrdreg s4  }
0xaf: {  	[dreg:$0x3] =	wrdreg s6  }
0xb0: {  	[dreg:$0x4] =	wrdreg $0xC0  }
0xb1: {  	_ =	task [dreg:s8], $0x5FFFF  }
0xb2: {  	[dreg:$0x1] =	wrdreg $0xFFFFFFFF  }
0xb3: {  	[dreg:$0x0] =	wrdreg $0x60  }
0xb4: {  	[dreg:$0x2] =	wrdreg s15  }
0xb5: {  	[dreg:$0x3] =	wrdreg s16  }
0xb6: {  	[dreg:$0x4] =	wrdreg s24  }
0xb7: {  	[dreg:$0x5] =	wrdreg $0x9  }
0xb8: {  	_ =	task.clear_ibuf [dreg:s8], $0x6FFFF;
	_ =	strace $0x90000046  }
0xb9: {  	s29 =	simm.s32 $0x9;
	_ =	strace $0x80000048  }
0xba: {  	_ =	swait.ge [sflag:s29], $0x1  }
0xbb: {  	[sflag:s29] =	ssyncadd.s32 $0xFFFFFFFF  }
0xbc: {  	_ =	strace $0x90000048  }
0xbd: {  	_ =	sfence  }
0xbe: {  	s30 =	sld [smem:$0x0];
	_ =	sdelay $0x2  }
0xbf: {  	s31 =	sshll.u32 s1, $0xD;
	s1 =	sshrl.u32 s1, $0x2  }
0xc0: {  	s3 =	sand.u32 $0x4000, s31;
	s1 =	sadd.s32 s1, s30  }
0xc1: {  	s0 =	sor.u32 s3, s0;
	s1 =	sshll.u32 s1, $0x11  }
0xc2: {  	s0 =	sor.u32 s1, s0  }
0xc3: {  	s0 =	sadd.s32 $0x8F2B, s0  }
0xc4: {  	[sflag:s0] =	ssyncadd.remote.s32 $0x1  }
0xc5: {  	_ =	sfence.sel $0xFFFF  }
0xc6: {  	[dreg:$0x0] =	wrdreg $0xFFFFFFFF;
	(pc) =	sbr.abs _section_cstart, $3  }
0xc7: {  	[dreg:$0x1] =	wrdreg $0xFFFFFFFF  }
0xc8: {  	_ =	task.clear_ibuf [dreg:s8], $0x2FFFF;
	_ =	strace $0x9FFFFFFF  }
0xc9: {  	(tm) =	ssettm $0x7FFFFFFF  }
tec
execute0_lowered:
.L_overlay_start_1:
0x0: {  	(tag) =	ssettag $0x1  }
0x1: {  	s1 =	rddreg [dreg:$0x0]  }
0x2: {  	s0 =	rddreg [dreg:$0x1]  }
0x3: {  	s2 =	rddreg [dreg:$0x2]  }
0x4: {  	s3 =	srdreg.scid;
	s5 =	stileid.u32;
	s8 =	simm.s32 $0x2  }
0x5: {  	s18 =	simm.s32 $0x1;
	s20 =	simm.s32 $0x880;
	s21 =	simm.s32 $0x1080  }
0x6: {  	s22 =	simm.s32 $0x1880;
	s23 =	simm.s32 $0x2080;
	s24 =	simm.s32 $0x2880  }
0x7: {  	s28 =	simm.s32 $0x4080;
	s29 =	simm.s32 $0x4880;
	s30 =	simm.s32 $0x5080  }
0x8: {  	s31 =	simm.s32 $0x5880;
	s10 =	simm.s32 $0x7080;
	s11 =	simm.s32 $0x7880  }
0x9: {  	s12 =	simm.s32 $0x8080;
	s13 =	simm.s32 $0x8880;
	s14 =	simm.s32 $0x9080  }
0xa: {  	s15 =	simm.s32 $0x9880;
	s16 =	simm.s32 $0xA080;
	s17 =	simm.s32 $0xA880  }
0xb: {  	s9 =	simm.s32 $0xB080;
	s4 =	sand.u32 $0x1, s3;
	s3 =	simm.s32 $0x0  }
0xc: {  	s5 =	sshll.u32 s5, $0x8;
	s6 =	sshll.u32 s4, $0x7;
	[smem:$0x7FF] =	sst s3  }
0xd: {  	s4 =	ssub.s32 $0x2, s4;
	s5 =	sor.u32 s6, s5;
	_ =	strace $0x80000047  }
0xe: {  	s7 =	sshrl.u32 s4, $0x1;
	s6 =	sshrl.u32 s5, $0x3;
	s5 =	sshll.u32 s5, $0x7  }
0xf: {  	s7 =	ssub.s32 s4, s7;
	s4 =	sadd.s32 $0x100, s1;
	s0 =	sadd.s32 s0, s6  }
0x10: {  	s2 =	sadd.s32 s5, s2;
	s5 =	sadd.s32 $0x200, s1;
	s6 =	sadd.s32 $0x300, s1  }
0x11: {  	v2 =	vlaneseq.u32;
	s7 =	smax.u32 s7, $0x1;
	[dreg:$0x4] =	wrdreg s0;
	s25 =	sadd.s32 $0x2C00, s2  }
0x12: {  	vm0 =	vmmov $0xffff;
	v1 =	vshrl.u32 v2, $0x3;
	s26 =	sadd.s32 $0x4C00, s2;
	s0 =	simm.s32 $0x80;
	[dreg:$0x5] =	wrdreg s25  }
0x13: {  	v0 =	vand.u32 $0x7, v2;
	v2 =	vor.u32 $0x8, v2;
	v1 =	vmul.u32 $0x8, v1;
	[dreg:$0x6] =	wrdreg s26;
	s25 =	simm.s32 $0x3080;
	s26 =	simm.s32 $0x3880  }
.LBB2_1:
0x14: {  	s19 =	rddreg [dreg:$0x4]  }
0x15: {  	[tilespmem:s3], [sflag:$0x2] =	stream.linear.gather [hbm4b:s19+s3], $0x80, $0x38;
	[tilespmem:$0x10080] =	vst v63  }
0x16: {  	_ =	swait.ge [sflag:s8], $0x80  }
0x17: {  	[sflag:s8] =	ssyncset.done $0x0  }
0x18: {  	[sflag:s8] =	ssyncadd.s32 $0xFFFFFF80  }
0x19: {  	v3 =	vld [tilespmem:$0x0];
	_ =	sdelay $0x4  }
0x1a: {  	v4 =	vshll.u32 v3, $0x3  }
0x1b: {  	v3 =	vand.u32 $0x7, v3;
	v4 =	vand.u32 $0xFFFFFFC0, v4  }
0x1c: {  	v3 =	vor.u32 v3, v4  }
0x1d: {  	v4 =	vperm.xlane v3, v0;
	_ =	sdelay $0x1  }
0x1e: {  	v4 =	vadd.s32 v1, v4;
	_ =	sdelay $0x4  }
0x1f: {  	[tilespmem:s0], [sflag:$0x1] =	stream.indirect_vreg.gather [hbm4b:s1+s3], $0x80, v4, vm0, $0xb8;
	[tilespmem:$0x10080] =	vst v63  }
0x20: {  	v3 =	vperm.xlane v3, v2  }
0x21: {  	[tilespmem:s20], [sflag:$0x1] =	stream.indirect_vreg.gather [hbm4b:s4+s3], $0x80, v4, vm0, $0xb8;
	[tilespmem:$0x10080] =	vst v63  }
0x22: {  	v3 =	vadd.s32 v1, v3  }
0x23: {  	[tilespmem:s21], [sflag:$0x1] =	stream.indirect_vreg.gather [hbm4b:s5+s3], $0x80, v4, vm0, $0xb8;
	[tilespmem:$0x10080] =	vst v63  }
0x24: {  	_ = 	snop  }
0x25: {  	[tilespmem:s22], [sflag:$0x1] =	stream.indirect_vreg.gather [hbm4b:s6+s3], $0x80, v4, vm0, $0xb8;
	[tilespmem:$0x10080] =	vst v63  }
0x26: {  	_ = 	snop  }
0x27: {  	[tilespmem:s23], [sflag:$0x1] =	stream.indirect_vreg.gather [hbm4b:s1+s3], $0x80, v3, vm0, $0xb8;
	[tilespmem:$0x10080] =	vst v63  }
0x28: {  	_ = 	snop  }
0x29: {  	[tilespmem:s24], [sflag:$0x1] =	stream.indirect_vreg.gather [hbm4b:s4+s3], $0x80, v3, vm0, $0xb8;
	[tilespmem:$0x10080] =	vst v63  }
0x2a: {  	_ = 	snop  }
0x2b: {  	[tilespmem:s25], [sflag:$0x1] =	stream.indirect_vreg.gather [hbm4b:s5+s3], $0x80, v3, vm0, $0xb8;
	[tilespmem:$0x10080] =	vst v63  }
0x2c: {  	_ = 	snop  }
0x2d: {  	[tilespmem:s26], [sflag:$0x1] =	stream.indirect_vreg.gather [hbm4b:s6+s3], $0x80, v3, vm0, $0xb8;
	[tilespmem:$0x10080] =	vst v63  }
0x2e: {  	v3 =	vld [tilespmem:$0x10];
	_ =	sdelay $0x4  }
0x2f: {  	v57 =	vshll.u32 v3, $0x3  }
0x30: {  	v3 =	vand.u32 $0x7, v3;
	v4 =	vand.u32 $0xFFFFFFC0, v57  }
0x31: {  	v3 =	vor.u32 v3, v4  }
0x32: {  	v4 =	vperm.xlane v3, v0;
	_ =	sdelay $0x1  }
0x33: {  	v4 =	vadd.s32 v1, v4;
	_ =	sdelay $0x4  }
0x34: {  	[tilespmem:s28], [sflag:$0x1] =	stream.indirect_vreg.gather [hbm4b:s1+s3], $0x80, v4, vm0, $0xb8;
	[tilespmem:$0x10080] =	vst v63  }
0x35: {  	v3 =	vperm.xlane v3, v2  }
0x36: {  	[tilespmem:s29], [sflag:$0x1] =	stream.indirect_vreg.gather [hbm4b:s4+s3], $0x80, v4, vm0, $0xb8;
	[tilespmem:$0x10080] =	vst v63  }
0x37: {  	v3 =	vadd.s32 v1, v3  }
0x38: {  	[tilespmem:s30], [sflag:$0x1] =	stream.indirect_vreg.gather [hbm4b:s5+s3], $0x80, v4, vm0, $0xb8;
	[tilespmem:$0x10080] =	vst v63  }
0x39: {  	_ = 	snop  }
0x3a: {  	[tilespmem:s31], [sflag:$0x1] =	stream.indirect_vreg.gather [hbm4b:s6+s3], $0x80, v4, vm0, $0xb8;
	[tilespmem:$0x10080] =	vst v63  }
0x3b: {  	s2 =	simm.s32 $0x6080  }
0x3c: {  	[tilespmem:s2], [sflag:$0x1] =	stream.indirect_vreg.gather [hbm4b:s1+s3], $0x80, v3, vm0, $0xb8;
	[tilespmem:$0x10080] =	vst v63  }
0x3d: {  	s2 =	simm.s32 $0x6880  }
0x3e: {  	[tilespmem:s2], [sflag:$0x1] =	stream.indirect_vreg.gather [hbm4b:s4+s3], $0x80, v3, vm0, $0xb8;
	[tilespmem:$0x10080] =	vst v63  }
0x3f: {  	_ = 	snop  }
0x40: {  	[tilespmem:s10], [sflag:$0x1] =	stream.indirect_vreg.gather [hbm4b:s5+s3], $0x80, v3, vm0, $0xb8;
	[tilespmem:$0x10080] =	vst v63  }
0x41: {  	_ = 	snop  }
0x42: {  	[tilespmem:s11], [sflag:$0x1] =	stream.indirect_vreg.gather [hbm4b:s6+s3], $0x80, v3, vm0, $0xb8;
	[tilespmem:$0x10080] =	vst v63  }
0x43: {  	v3 =	vld [tilespmem:$0x20];
	_ =	sdelay $0x4  }
0x44: {  	v58 =	vshll.u32 v3, $0x3  }
0x45: {  	v3 =	vand.u32 $0x7, v3;
	v4 =	vand.u32 $0xFFFFFFC0, v58  }
0x46: {  	v3 =	vor.u32 v3, v4  }
0x47: {  	v4 =	vperm.xlane v3, v0;
	_ =	sdelay $0x1  }
0x48: {  	v4 =	vadd.s32 v1, v4;
	_ =	sdelay $0x4  }
0x49: {  	[tilespmem:s12], [sflag:$0x1] =	stream.indirect_vreg.gather [hbm4b:s1+s3], $0x80, v4, vm0, $0xb8;
	[tilespmem:$0x10080] =	vst v63  }
0x4a: {  	v3 =	vperm.xlane v3, v2  }
0x4b: {  	[tilespmem:s13], [sflag:$0x1] =	stream.indirect_vreg.gather [hbm4b:s4+s3], $0x80, v4, vm0, $0xb8;
	[tilespmem:$0x10080] =	vst v63  }
0x4c: {  	v3 =	vadd.s32 v1, v3  }
0x4d: {  	[tilespmem:s14], [sflag:$0x1] =	stream.indirect_vreg.gather [hbm4b:s5+s3], $0x80, v4, vm0, $0xb8;
	[tilespmem:$0x10080] =	vst v63  }
0x4e: {  	_ = 	snop  }
0x4f: {  	[tilespmem:s15], [sflag:$0x1] =	stream.indirect_vreg.gather [hbm4b:s6+s3], $0x80, v4, vm0, $0xb8;
	[tilespmem:$0x10080] =	vst v63  }
0x50: {  	_ = 	snop  }
0x51: {  	[tilespmem:s16], [sflag:$0x1] =	stream.indirect_vreg.gather [hbm4b:s1+s3], $0x80, v3, vm0, $0xb8;
	[tilespmem:$0x10080] =	vst v63  }
0x52: {  	_ = 	snop  }
0x53: {  	[tilespmem:s17], [sflag:$0x1] =	stream.indirect_vreg.gather [hbm4b:s4+s3], $0x80, v3, vm0, $0xb8;
	[tilespmem:$0x10080] =	vst v63  }
0x54: {  	_ = 	snop  }
0x55: {  	[tilespmem:s9], [sflag:$0x1] =	stream.indirect_vreg.gather [hbm4b:s5+s3], $0x80, v3, vm0, $0xb8;
	[tilespmem:$0x10080] =	vst v63  }
0x56: {  	s19 =	simm.s32 $0xB880  }
0x57: {  	[tilespmem:s19], [sflag:$0x1] =	stream.indirect_vreg.gather [hbm4b:s6+s3], $0x80, v3, vm0, $0xb8;
	[tilespmem:$0x10080] =	vst v63  }
0x58: {  	v3 =	vld [tilespmem:$0x30];
	_ =	sdelay $0x4  }
0x59: {  	v59 =	vshll.u32 v3, $0x3  }
0x5a: {  	v3 =	vand.u32 $0x7, v3;
	v4 =	vand.u32 $0xFFFFFFC0, v59  }
0x5b: {  	v3 =	vor.u32 v3, v4  }
0x5c: {  	v4 =	vperm.xlane v3, v0;
	_ =	sdelay $0x1  }
0x5d: {  	v4 =	vadd.s32 v1, v4;
	_ =	sdelay $0x3  }
0x5e: {  	s19 =	simm.s32 $0xC080  }
0x5f: {  	[tilespmem:s19], [sflag:$0x1] =	stream.indirect_vreg.gather [hbm4b:s1+s3], $0x80, v4, vm0, $0xb8;
	[tilespmem:$0x10080] =	vst v63  }
0x60: {  	v3 =	vperm.xlane v3, v2;
	s19 =	simm.s32 $0xC880  }
0x61: {  	[tilespmem:s19], [sflag:$0x1] =	stream.indirect_vreg.gather [hbm4b:s4+s3], $0x80, v4, vm0, $0xb8;
	[tilespmem:$0x10080] =	vst v63  }
0x62: {  	v3 =	vadd.s32 v1, v3;
	s19 =	simm.s32 $0xD080  }
0x63: {  	[tilespmem:s19], [sflag:$0x1] =	stream.indirect_vreg.gather [hbm4b:s5+s3], $0x80, v4, vm0, $0xb8;
	[tilespmem:$0x10080] =	vst v63  }
0x64: {  	s19 =	simm.s32 $0xD880  }
0x65: {  	[tilespmem:s19], [sflag:$0x1] =	stream.indirect_vreg.gather [hbm4b:s6+s3], $0x80, v4, vm0, $0xb8;
	[tilespmem:$0x10080] =	vst v63  }
0x66: {  	s19 =	simm.s32 $0xE080  }
0x67: {  	[tilespmem:s19], [sflag:$0x1] =	stream.indirect_vreg.gather [hbm4b:s1+s3], $0x80, v3, vm0, $0xb8;
	[tilespmem:$0x10080] =	vst v63  }
0x68: {  	s19 =	simm.s32 $0xE880  }
0x69: {  	[tilespmem:s19], [sflag:$0x1] =	stream.indirect_vreg.gather [hbm4b:s4+s3], $0x80, v3, vm0, $0xb8;
	[tilespmem:$0x10080] =	vst v63  }
0x6a: {  	s19 =	simm.s32 $0xF080  }
0x6b: {  	[tilespmem:s19], [sflag:$0x1] =	stream.indirect_vreg.gather [hbm4b:s5+s3], $0x80, v3, vm0, $0xb8;
	[tilespmem:$0x10080] =	vst v63  }
0x6c: {  	s19 =	simm.s32 $0xF880  }
0x6d: {  	[tilespmem:s19], [sflag:$0x1] =	stream.indirect_vreg.gather [hbm4b:s6+s3], $0x80, v3, vm0, $0xb8;
	[tilespmem:$0x10080] =	vst v63  }
0x6e: {  	_ =	swait.ge [sflag:s18], $0x10000  }
0x6f: {  	[sflag:s18] =	ssyncset.done $0x0  }
0x70: {  	s19 =	rddreg [dreg:$0x5];
	[sflag:s18] =	ssyncadd.s32 $0xFFFF0000  }
0x71: {  	[hbm4b:s19+s3] =	stream.linear.scatter [tilespmem:s0], [sflag:$0x2], $0x10000, $0x38;
	[tilespmem:$0x10080] =	vst v63  }
0x72: {  	_ =	swait.ge [sflag:s8], $0x10000  }
0x73: {  	[sflag:s8] =	ssyncset.done $0x0  }
0x74: {  	[sflag:s8] =	ssyncadd.s32 $0xFFFF0000  }
0x75: {  	v3 =	vld [tilespmem:$0x40];
	_ =	sdelay $0x4  }
0x76: {  	v60 =	vshll.u32 v3, $0x3  }
0x77: {  	v3 =	vand.u32 $0x7, v3;
	v4 =	vand.u32 $0xFFFFFFC0, v60  }
0x78: {  	v3 =	vor.u32 v3, v4  }
0x79: {  	v4 =	vperm.xlane v3, v0;
	_ =	sdelay $0x1  }
0x7a: {  	v4 =	vadd.s32 v1, v4;
	_ =	sdelay $0x4  }
0x7b: {  	[tilespmem:s0], [sflag:$0x1] =	stream.indirect_vreg.gather [hbm4b:s1+s3], $0x80, v4, vm0, $0xb8;
	[tilespmem:$0x10080] =	vst v63  }
0x7c: {  	v3 =	vperm.xlane v3, v2  }
0x7d: {  	[tilespmem:s20], [sflag:$0x1] =	stream.indirect_vreg.gather [hbm4b:s4+s3], $0x80, v4, vm0, $0xb8;
	[tilespmem:$0x10080] =	vst v63  }
0x7e: {  	v3 =	vadd.s32 v1, v3  }
0x7f: {  	[tilespmem:s21], [sflag:$0x1] =	stream.indirect_vreg.gather [hbm4b:s5+s3], $0x80, v4, vm0, $0xb8;
	[tilespmem:$0x10080] =	vst v63  }
0x80: {  	_ = 	snop  }
0x81: {  	[tilespmem:s22], [sflag:$0x1] =	stream.indirect_vreg.gather [hbm4b:s6+s3], $0x80, v4, vm0, $0xb8;
	[tilespmem:$0x10080] =	vst v63  }
0x82: {  	_ = 	snop  }
0x83: {  	[tilespmem:s23], [sflag:$0x1] =	stream.indirect_vreg.gather [hbm4b:s1+s3], $0x80, v3, vm0, $0xb8;
	[tilespmem:$0x10080] =	vst v63  }
0x84: {  	_ = 	snop  }
0x85: {  	[tilespmem:s24], [sflag:$0x1] =	stream.indirect_vreg.gather [hbm4b:s4+s3], $0x80, v3, vm0, $0xb8;
	[tilespmem:$0x10080] =	vst v63  }
0x86: {  	_ = 	snop  }
0x87: {  	[tilespmem:s25], [sflag:$0x1] =	stream.indirect_vreg.gather [hbm4b:s5+s3], $0x80, v3, vm0, $0xb8;
	[tilespmem:$0x10080] =	vst v63  }
0x88: {  	_ = 	snop  }
0x89: {  	[tilespmem:s26], [sflag:$0x1] =	stream.indirect_vreg.gather [hbm4b:s6+s3], $0x80, v3, vm0, $0xb8;
	[tilespmem:$0x10080] =	vst v63  }
0x8a: {  	v3 =	vld [tilespmem:$0x50];
	_ =	sdelay $0x4  }
0x8b: {  	v61 =	vshll.u32 v3, $0x3  }
0x8c: {  	v3 =	vand.u32 $0x7, v3;
	v4 =	vand.u32 $0xFFFFFFC0, v61  }
0x8d: {  	v3 =	vor.u32 v3, v4  }
0x8e: {  	v4 =	vperm.xlane v3, v0;
	_ =	sdelay $0x1  }
0x8f: {  	v4 =	vadd.s32 v1, v4;
	_ =	sdelay $0x4  }
0x90: {  	[tilespmem:s28], [sflag:$0x1] =	stream.indirect_vreg.gather [hbm4b:s1+s3], $0x80, v4, vm0, $0xb8;
	[tilespmem:$0x10080] =	vst v63  }
0x91: {  	v3 =	vperm.xlane v3, v2  }
0x92: {  	[tilespmem:s29], [sflag:$0x1] =	stream.indirect_vreg.gather [hbm4b:s4+s3], $0x80, v4, vm0, $0xb8;
	[tilespmem:$0x10080] =	vst v63  }
0x93: {  	v3 =	vadd.s32 v1, v3  }
0x94: {  	[tilespmem:s30], [sflag:$0x1] =	stream.indirect_vreg.gather [hbm4b:s5+s3], $0x80, v4, vm0, $0xb8;
	[tilespmem:$0x10080] =	vst v63  }
0x95: {  	_ = 	snop  }
0x96: {  	[tilespmem:s31], [sflag:$0x1] =	stream.indirect_vreg.gather [hbm4b:s6+s3], $0x80, v4, vm0, $0xb8;
	[tilespmem:$0x10080] =	vst v63  }
0x97: {  	s19 =	simm.s32 $0x6080  }
0x98: {  	[tilespmem:s19], [sflag:$0x1] =	stream.indirect_vreg.gather [hbm4b:s1+s3], $0x80, v3, vm0, $0xb8;
	[tilespmem:$0x10080] =	vst v63  }
0x99: {  	_ = 	snop  }
0x9a: {  	[tilespmem:s2], [sflag:$0x1] =	stream.indirect_vreg.gather [hbm4b:s4+s3], $0x80, v3, vm0, $0xb8;
	[tilespmem:$0x10080] =	vst v63  }
0x9b: {  	_ = 	snop  }
0x9c: {  	[tilespmem:s10], [sflag:$0x1] =	stream.indirect_vreg.gather [hbm4b:s5+s3], $0x80, v3, vm0, $0xb8;
	[tilespmem:$0x10080] =	vst v63  }
0x9d: {  	_ = 	snop  }
0x9e: {  	[tilespmem:s11], [sflag:$0x1] =	stream.indirect_vreg.gather [hbm4b:s6+s3], $0x80, v3, vm0, $0xb8;
	[tilespmem:$0x10080] =	vst v63  }
0x9f: {  	v3 =	vld [tilespmem:$0x60];
	_ =	sdelay $0x4  }
0xa0: {  	v62 =	vshll.u32 v3, $0x3  }
0xa1: {  	v3 =	vand.u32 $0x7, v3;
	v4 =	vand.u32 $0xFFFFFFC0, v62  }
0xa2: {  	v3 =	vor.u32 v3, v4  }
0xa3: {  	v4 =	vperm.xlane v3, v0;
	_ =	sdelay $0x1  }
0xa4: {  	v4 =	vadd.s32 v1, v4;
	_ =	sdelay $0x4  }
0xa5: {  	[tilespmem:s12], [sflag:$0x1] =	stream.indirect_vreg.gather [hbm4b:s1+s3], $0x80, v4, vm0, $0xb8;
	[tilespmem:$0x10080] =	vst v63  }
0xa6: {  	v3 =	vperm.xlane v3, v2  }
0xa7: {  	[tilespmem:s13], [sflag:$0x1] =	stream.indirect_vreg.gather [hbm4b:s4+s3], $0x80, v4, vm0, $0xb8;
	[tilespmem:$0x10080] =	vst v63  }
0xa8: {  	v3 =	vadd.s32 v1, v3  }
0xa9: {  	[tilespmem:s14], [sflag:$0x1] =	stream.indirect_vreg.gather [hbm4b:s5+s3], $0x80, v4, vm0, $0xb8;
	[tilespmem:$0x10080] =	vst v63  }
0xaa: {  	_ = 	snop  }
0xab: {  	[tilespmem:s15], [sflag:$0x1] =	stream.indirect_vreg.gather [hbm4b:s6+s3], $0x80, v4, vm0, $0xb8;
	[tilespmem:$0x10080] =	vst v63  }
0xac: {  	_ = 	snop  }
0xad: {  	[tilespmem:s16], [sflag:$0x1] =	stream.indirect_vreg.gather [hbm4b:s1+s3], $0x80, v3, vm0, $0xb8;
	[tilespmem:$0x10080] =	vst v63  }
0xae: {  	_ = 	snop  }
0xaf: {  	[tilespmem:s17], [sflag:$0x1] =	stream.indirect_vreg.gather [hbm4b:s4+s3], $0x80, v3, vm0, $0xb8;
	[tilespmem:$0x10080] =	vst v63  }
0xb0: {  	_ = 	snop  }
0xb1: {  	[tilespmem:s9], [sflag:$0x1] =	stream.indirect_vreg.gather [hbm4b:s5+s3], $0x80, v3, vm0, $0xb8;
	[tilespmem:$0x10080] =	vst v63  }
0xb2: {  	s19 =	simm.s32 $0xB880  }
0xb3: {  	[tilespmem:s19], [sflag:$0x1] =	stream.indirect_vreg.gather [hbm4b:s6+s3], $0x80, v3, vm0, $0xb8;
	[tilespmem:$0x10080] =	vst v63  }
0xb4: {  	v3 =	vld [tilespmem:$0x70];
	_ =	sdelay $0x4  }
0xb5: {  	v63 =	vshll.u32 v3, $0x3  }
0xb6: {  	v3 =	vand.u32 $0x7, v3;
	v4 =	vand.u32 $0xFFFFFFC0, v63  }
0xb7: {  	v3 =	vor.u32 v3, v4  }
0xb8: {  	v4 =	vperm.xlane v3, v0;
	_ =	sdelay $0x1  }
0xb9: {  	v4 =	vadd.s32 v1, v4;
	_ =	sdelay $0x3  }
0xba: {  	s19 =	simm.s32 $0xC080  }
0xbb: {  	[tilespmem:s19], [sflag:$0x1] =	stream.indirect_vreg.gather [hbm4b:s1+s3], $0x80, v4, vm0, $0xb8;
	[tilespmem:$0x10080] =	vst v63  }
0xbc: {  	v3 =	vperm.xlane v3, v2;
	s19 =	simm.s32 $0xC880  }
0xbd: {  	[tilespmem:s19], [sflag:$0x1] =	stream.indirect_vreg.gather [hbm4b:s4+s3], $0x80, v4, vm0, $0xb8;
	[tilespmem:$0x10080] =	vst v63  }
0xbe: {  	v3 =	vadd.s32 v1, v3;
	s19 =	simm.s32 $0xD080  }
0xbf: {  	[tilespmem:s19], [sflag:$0x1] =	stream.indirect_vreg.gather [hbm4b:s5+s3], $0x80, v4, vm0, $0xb8;
	[tilespmem:$0x10080] =	vst v63  }
0xc0: {  	s19 =	simm.s32 $0xD880  }
0xc1: {  	[tilespmem:s19], [sflag:$0x1] =	stream.indirect_vreg.gather [hbm4b:s6+s3], $0x80, v4, vm0, $0xb8;
	[tilespmem:$0x10080] =	vst v63  }
0xc2: {  	s19 =	simm.s32 $0xE080  }
0xc3: {  	[tilespmem:s19], [sflag:$0x1] =	stream.indirect_vreg.gather [hbm4b:s1+s3], $0x80, v3, vm0, $0xb8;
	[tilespmem:$0x10080] =	vst v63  }
0xc4: {  	s19 =	simm.s32 $0xE880  }
0xc5: {  	[tilespmem:s19], [sflag:$0x1] =	stream.indirect_vreg.gather [hbm4b:s4+s3], $0x80, v3, vm0, $0xb8;
	[tilespmem:$0x10080] =	vst v63  }
0xc6: {  	s19 =	simm.s32 $0xF080  }
0xc7: {  	[tilespmem:s19], [sflag:$0x1] =	stream.indirect_vreg.gather [hbm4b:s5+s3], $0x80, v3, vm0, $0xb8;
	[tilespmem:$0x10080] =	vst v63  }
0xc8: {  	s19 =	simm.s32 $0xF880  }
0xc9: {  	[tilespmem:s19], [sflag:$0x1] =	stream.indirect_vreg.gather [hbm4b:s6+s3], $0x80, v3, vm0, $0xb8;
	[tilespmem:$0x10080] =	vst v63  }
0xca: {  	_ =	swait.ge [sflag:s18], $0x10000  }
0xcb: {  	p0 =	sne.s32 s7, $0x1;
	[sflag:s18] =	ssyncset.done $0x0  }
.Ltmp0:
0xcc: {  	s2 =	rddreg [dreg:$0x6];
	[sflag:s18] =	ssyncadd.s32 $0xFFFF0000;
	(pc) =	sbr.rel @p0 .LBB2_1-.Ltmp0, $4  }
0xcd: {  	[hbm4b:s2+s3] =	stream.linear.scatter [tilespmem:s0], [sflag:$0x2], $0x10000, $0x38;
	[tilespmem:$0x10080] =	vst v63  }
0xce: {  	_ =	swait.ge [sflag:s8], $0x10000  }
0xcf: {  	[sflag:s8] =	ssyncset.done $0x0  }
0xd0: {  	s7 =	sadd.s32 $0xFFFFFFFF, s7;
	[sflag:s8] =	ssyncadd.s32 $0xFFFF0000  }
0xd1: {  	_ =	sfence.sel $0x180000  }
0xd2: {  	[bflag:$0x0] =	sbarrier.arrive $0xFFFF  }
0xd3: {  	_ =	strace $0x90000047  }
0xd4: {  	s0 =	stileid.u32;
	[bflag:$0x2] =	sbarrier.arrive $0xFFFF  }
0xd5: {  	p0 =	sne.s32 s0, $0x0;
	s0 =	rddreg [dreg:$0x3]  }
0xd6: {  	s0 =	sadd.s32 @!p0 $0x100000, s0  }
0xd7: {  	[sflag:s0] =	ssyncadd.tile.s32 @!p0 $0x1;
	_ =	shalt  }
.Lfunc_end2:
_tile_overlayer_lowered:
.L_overlay_start_2:
0xd8: {  	(tag) =	ssettag $0x2  }
0xd9: {  	s0 =	rddreg [dreg:$0x0];
	s2 =	stileid.u32  }
0xda: {  	s1 =	rddreg [dreg:$0x1];
	p0 =	sne.s32 s2, $0x0  }
0xdb: {  	s3 =	rddreg [dreg:$0x2];
	[bflag:$0x3] =	sbarrier.arrive $0xFFFF;
	s2 =	simm.s32 @!p0 $0x1C02  }
0xdc: {  	[timem:s3], [sflag:s2] =	dma.local @!p0 [hbm:s0], s1  }
0xdd: {  	s0 =	simm.s32 @!p0 $0x2  }
0xde: {  	_ =	swait.ge @!p0 [sflag:s0], s1  }
0xdf: {  	s1 =	ssub.s32 @!p0 $0x0, s1;
	[sflag:s0] =	ssyncset.done @!p0 $0x0  }
0xe0: {  	[sflag:s0] =	ssyncadd.s32 @!p0 s1  }
0xe1: {  	[bflag:$0x3] =	sbarrier.arrive $0xFFFF  }
0xe2: {  	_ =	shalt  }

</sc_bundles>
